<compile_context>
chip_gen: v7x
topology: tpu7x:2x2x1
jax: 0.10.2.dev20260603
libtpu: 0.0.44.dev20260713+nightly
codegen_flags: <defaults>
</compile_context>

<pallas_src>
import jax
import jax.numpy as jnp
from jax import lax
from jax.experimental import pallas as pl
from jax.experimental.pallas import tpu as pltpu
from jax.experimental.pallas import tpu_sc as plsc

VOCAB = 100000
EMBED = 64
BATCH = 4096
HIST = 50

NC = 2
NS = 16
LANES = 16
NJ = EMBED // LANES
NW = NC * NS
B_W = BATCH // NW
SPU = 2
IPU = SPU * HIST
U_W = B_W // SPU
NBUF = 4


def _gather_body(idx_hbm, table_hbm, out_hbm, idx_v, rows_v, out_v, *sems):
    wid = lax.axis_index("s") * NC + lax.axis_index("c")
    ubase = wid * U_W

    pltpu.sync_copy(idx_hbm.at[pl.ds(ubase, U_W)], idx_v)

    def fire(u, b):
        return pltpu.async_copy(table_hbm.at[idx_v.at[u]], rows_v.at[b], sems[b])

    for b in range(NBUF):
        fire(b, b)

    def group(gi, carry):
        for b in range(NBUF):
            u = gi * NBUF + b
            pltpu.make_async_copy(table_hbm.at[idx_v.at[u]], rows_v.at[b],
                                  sems[b]).wait()
            for p in range(SPU):
                base_t = p * HIST

                def tok(i, accs):
                    t = 2 * i
                    return tuple(
                        accs[k * NJ + j]
                        + rows_v[b, base_t + t + k, pl.ds(j * LANES, LANES)]
                        for k in range(2) for j in range(NJ)
                    )

                zero = jnp.zeros((LANES,), jnp.float32)
                accs = lax.fori_loop(0, HIST // 2, tok, (zero,) * (2 * NJ))
                s = SPU * u + p
                for j in range(NJ):
                    out_v[s, pl.ds(j * LANES, LANES)] = (
                        (accs[j] + accs[NJ + j]) * (1.0 / HIST))
            @pl.when(u + NBUF < U_W)
            def _():
                fire(u + NBUF, b)
        return carry

    lax.fori_loop(0, U_W // NBUF, group, 0)

    pltpu.sync_copy(out_v, out_hbm.at[pl.ds(wid * B_W, B_W)])


@jax.jit
def _emb_mean(idx, table):
    mesh = plsc.VectorSubcoreMesh(core_axis_name="c", subcore_axis_name="s")
    return pl.kernel(
        _gather_body,
        out_type=jax.ShapeDtypeStruct((BATCH, EMBED), jnp.float32),
        mesh=mesh,
        compiler_params=pltpu.CompilerParams(use_tc_tiling_on_sc=False),
        scratch_types=[
            pltpu.VMEM((U_W, IPU), jnp.int32),
            pltpu.VMEM((NBUF, IPU, EMBED), jnp.float32),
            pltpu.VMEM((B_W, EMBED), jnp.float32),
        ] + [pltpu.SemaphoreType.DMA] * NBUF,
    )(idx, table)


def kernel(input_var, table):
    idx = input_var.astype(jnp.int32).reshape(BATCH // SPU, IPU)
    return _emb_mean(idx, table)

# --- scband reference (transcript-rebuilt; emitter-appended) ---
"""Pipeline reference for scband-word2-vec-mean-75617194213687 (READ-ONLY COPY).

The authoritative reference and input builder live on the scoring server;
editing this copy changes nothing except your own understanding.
"""

import jax, jax.numpy as jnp
import numpy as np

VOCAB = 100000
EMBED = 64
BATCH = 4096
HIST = 50

def setup_inputs(seed: int = 0) -> dict:
    key = jax.random.key(seed)
    k_idx, k_tab = jax.random.split(key)
    input_var = jax.random.randint(k_idx, (BATCH, HIST), 0, VOCAB, dtype=jnp.int64 if jax.config.jax_enable_x64 else jnp.int32)
    table = jax.random.normal(k_tab, (VOCAB, EMBED), dtype=jnp.float32)
    return {"input_var": input_var, "table": table}

def reference(input_var, table):
    # Faithful to Word2VecMean.forward: for each sequence in the batch,
    # embed its tokens and take the mean over the sequence (dim=0 per-sample).
    embedded = jnp.take(table, input_var, axis=0)   # [B, L, D] gather
    mean = embedded.mean(axis=1)                    # mean over tokens (dim=0 of each var)
    return mean                                     # [B, D]

if __name__ == "__main__":
    import jax
    _d = setup_inputs()
    print(jax.jit(kernel)(*tuple(_d.values())))

</pallas_src>

<mosaic_0001>
#map = affine_map<(d0, d1) -> (0, 0)>
module attributes {stable_mosaic.version = 14 : i64} {
  func.func @_gather_body(%arg0: i32, %arg1: i32, %arg2: memref<2048x100xi32, #tpu.memory_space<hbm>>, %arg3: memref<100000x64xf32, #tpu.memory_space<hbm>>, %arg4: memref<4096x64xf32, #tpu.memory_space<hbm>>, %arg5: memref<64x100xi32, #tpu.memory_space<vmem>>, %arg6: memref<4x100x64xf32, #tpu.memory_space<vmem>>, %arg7: memref<128x64xf32, #tpu.memory_space<vmem>>, %arg8: memref<!tpu.dma_semaphore, #tpu.memory_space<semaphore_mem>>, %arg9: memref<!tpu.dma_semaphore, #tpu.memory_space<semaphore_mem>>, %arg10: memref<!tpu.dma_semaphore, #tpu.memory_space<semaphore_mem>>, %arg11: memref<!tpu.dma_semaphore, #tpu.memory_space<semaphore_mem>>) attributes {dimension_semantics = [#tpu.dimension_semantics<core_parallel>, #tpu.dimension_semantics<subcore_parallel>], iteration_bounds = array<i64: 2, 16>, scalar_prefetch = 0 : i64, scratch_operands = 7 : i64, tpu.core_type = #tpu.core_type<sc_vector_subcore>, window_params = [{transform_indices = #map}, {transform_indices = #map}, {transform_indices = #map}]} {
    %mul3A = arith.constant 2 : i32
    %mul3A_0 = arith.muli %arg1, %mul3A : i32
    %add3A = arith.addi %mul3A_0, %arg0 : i32
    %mul3A_1 = arith.constant 64 : i32
    %mul3A_2 = arith.muli %add3A, %mul3A_1 : i32
    "tpu.region"() ({
      %run_scoped3A = tpu.sem_alloc : memref<!tpu.dma_semaphore, #tpu.memory_space<semaphore_mem>>
      %dma_start3A_57 = arith.constant 0 : i32
      %dma_start3A_58 = tpu.memref_slice %arg2[%mul3A_2, %dma_start3A_57] : memref<2048x100xi32, #tpu.memory_space<hbm>> -> memref<64x100xi32, #tpu.memory_space<hbm>>
      %dma_start3A_59 = arith.constant 0 : i32
      %dma_start3A_60 = tpu.memref_slice %arg2[%mul3A_2, %dma_start3A_59] : memref<2048x100xi32, #tpu.memory_space<hbm>> -> memref<64x100xi32, #tpu.memory_space<hbm>>
      tpu.enqueue_dma source(%dma_start3A_60 : memref<64x100xi32, #tpu.memory_space<hbm>>) target(%arg5 : memref<64x100xi32, #tpu.memory_space<vmem>>) target_semaphore(%run_scoped3A : memref<!tpu.dma_semaphore, #tpu.memory_space<semaphore_mem>>)
      %dma_wait3A = arith.constant 0 : i32
      %dma_wait3A_61 = tpu.memref_slice %arg2[%mul3A_2, %dma_wait3A] : memref<2048x100xi32, #tpu.memory_space<hbm>> -> memref<64x100xi32, #tpu.memory_space<hbm>>
      %dma_wait3A_62 = arith.constant 0 : i32
      %dma_wait3A_63 = tpu.memref_slice %arg2[%mul3A_2, %dma_wait3A_62] : memref<2048x100xi32, #tpu.memory_space<hbm>> -> memref<64x100xi32, #tpu.memory_space<hbm>>
      tpu.wait_dma2 semaphore(%run_scoped3A : memref<!tpu.dma_semaphore, #tpu.memory_space<semaphore_mem>>) src(%dma_wait3A_63 : memref<64x100xi32, #tpu.memory_space<hbm>>) dst(%arg5 : memref<64x100xi32, #tpu.memory_space<vmem>>)
      tpu.yield
    }) : () -> ()
    %dma_start3A = arith.constant 0 : i32
    %dma_start3A_3 = arith.constant 0 : i32
    %dma_start3A_4 = arith.constant 0 : i32
    %dma_start3A_5 = arith.constant 0 : i32
    %dma_start3A_6 = tpu.memref_slice %arg6[%dma_start3A_3, %dma_start3A_4, %dma_start3A_5] : memref<4x100x64xf32, #tpu.memory_space<vmem>> -> memref<1x100x64xf32, #tpu.memory_space<vmem>>
    %dma_start3A_7 = tpu.memref_squeeze %dma_start3A_6 : memref<1x100x64xf32, #tpu.memory_space<vmem>> -> memref<100x64xf32, #tpu.memory_space<vmem>>
    %dma_start3A_8 = arith.constant 0 : i32
    %dma_start3A_9 = tpu.memref_slice %arg5[%dma_start3A, %dma_start3A_8] : memref<64x100xi32, #tpu.memory_space<vmem>> -> memref<1x100xi32, #tpu.memory_space<vmem>>
    %dma_start3A_10 = tpu.memref_squeeze %dma_start3A_9 : memref<1x100xi32, #tpu.memory_space<vmem>> -> memref<100xi32, #tpu.memory_space<vmem>>
    %dma_start3A_11 = arith.constant 0 : i32
    %dma_start3A_12 = arith.constant 0 : i32
    %dma_start3A_13 = tpu.memref_slice %arg3[%dma_start3A_11, %dma_start3A_12] : memref<100000x64xf32, #tpu.memory_space<hbm>> -> memref<100000x64xf32, #tpu.memory_space<hbm>>
    tpu.enqueue_indirect_dma source(%dma_start3A_13 : memref<100000x64xf32, #tpu.memory_space<hbm>>) target(%dma_start3A_7 : memref<100x64xf32, #tpu.memory_space<vmem>>) offsets(%dma_start3A_10 : memref<100xi32, #tpu.memory_space<vmem>>) semaphore(%arg8 : memref<!tpu.dma_semaphore, #tpu.memory_space<semaphore_mem>>)
    %dma_start3A_14 = arith.constant 1 : i32
    %dma_start3A_15 = arith.constant 1 : i32
    %dma_start3A_16 = arith.constant 0 : i32
    %dma_start3A_17 = arith.constant 0 : i32
    %dma_start3A_18 = tpu.memref_slice %arg6[%dma_start3A_15, %dma_start3A_16, %dma_start3A_17] : memref<4x100x64xf32, #tpu.memory_space<vmem>> -> memref<1x100x64xf32, #tpu.memory_space<vmem>>
    %dma_start3A_19 = tpu.memref_squeeze %dma_start3A_18 : memref<1x100x64xf32, #tpu.memory_space<vmem>> -> memref<100x64xf32, #tpu.memory_space<vmem>>
    %dma_start3A_20 = arith.constant 0 : i32
    %dma_start3A_21 = tpu.memref_slice %arg5[%dma_start3A_14, %dma_start3A_20] : memref<64x100xi32, #tpu.memory_space<vmem>> -> memref<1x100xi32, #tpu.memory_space<vmem>>
    %dma_start3A_22 = tpu.memref_squeeze %dma_start3A_21 : memref<1x100xi32, #tpu.memory_space<vmem>> -> memref<100xi32, #tpu.memory_space<vmem>>
    %dma_start3A_23 = arith.constant 0 : i32
    %dma_start3A_24 = arith.constant 0 : i32
    %dma_start3A_25 = tpu.memref_slice %arg3[%dma_start3A_23, %dma_start3A_24] : memref<100000x64xf32, #tpu.memory_space<hbm>> -> memref<100000x64xf32, #tpu.memory_space<hbm>>
    tpu.enqueue_indirect_dma source(%dma_start3A_25 : memref<100000x64xf32, #tpu.memory_space<hbm>>) target(%dma_start3A_19 : memref<100x64xf32, #tpu.memory_space<vmem>>) offsets(%dma_start3A_22 : memref<100xi32, #tpu.memory_space<vmem>>) semaphore(%arg9 : memref<!tpu.dma_semaphore, #tpu.memory_space<semaphore_mem>>)
    %dma_start3A_26 = arith.constant 2 : i32
    %dma_start3A_27 = arith.constant 2 : i32
    %dma_start3A_28 = arith.constant 0 : i32
    %dma_start3A_29 = arith.constant 0 : i32
    %dma_start3A_30 = tpu.memref_slice %arg6[%dma_start3A_27, %dma_start3A_28, %dma_start3A_29] : memref<4x100x64xf32, #tpu.memory_space<vmem>> -> memref<1x100x64xf32, #tpu.memory_space<vmem>>
    %dma_start3A_31 = tpu.memref_squeeze %dma_start3A_30 : memref<1x100x64xf32, #tpu.memory_space<vmem>> -> memref<100x64xf32, #tpu.memory_space<vmem>>
    %dma_start3A_32 = arith.constant 0 : i32
    %dma_start3A_33 = tpu.memref_slice %arg5[%dma_start3A_26, %dma_start3A_32] : memref<64x100xi32, #tpu.memory_space<vmem>> -> memref<1x100xi32, #tpu.memory_space<vmem>>
    %dma_start3A_34 = tpu.memref_squeeze %dma_start3A_33 : memref<1x100xi32, #tpu.memory_space<vmem>> -> memref<100xi32, #tpu.memory_space<vmem>>
    %dma_start3A_35 = arith.constant 0 : i32
    %dma_start3A_36 = arith.constant 0 : i32
    %dma_start3A_37 = tpu.memref_slice %arg3[%dma_start3A_35, %dma_start3A_36] : memref<100000x64xf32, #tpu.memory_space<hbm>> -> memref<100000x64xf32, #tpu.memory_space<hbm>>
    tpu.enqueue_indirect_dma source(%dma_start3A_37 : memref<100000x64xf32, #tpu.memory_space<hbm>>) target(%dma_start3A_31 : memref<100x64xf32, #tpu.memory_space<vmem>>) offsets(%dma_start3A_34 : memref<100xi32, #tpu.memory_space<vmem>>) semaphore(%arg10 : memref<!tpu.dma_semaphore, #tpu.memory_space<semaphore_mem>>)
    %dma_start3A_38 = arith.constant 3 : i32
    %dma_start3A_39 = arith.constant 3 : i32
    %dma_start3A_40 = arith.constant 0 : i32
    %dma_start3A_41 = arith.constant 0 : i32
    %dma_start3A_42 = tpu.memref_slice %arg6[%dma_start3A_39, %dma_start3A_40, %dma_start3A_41] : memref<4x100x64xf32, #tpu.memory_space<vmem>> -> memref<1x100x64xf32, #tpu.memory_space<vmem>>
    %dma_start3A_43 = tpu.memref_squeeze %dma_start3A_42 : memref<1x100x64xf32, #tpu.memory_space<vmem>> -> memref<100x64xf32, #tpu.memory_space<vmem>>
    %dma_start3A_44 = arith.constant 0 : i32
    %dma_start3A_45 = tpu.memref_slice %arg5[%dma_start3A_38, %dma_start3A_44] : memref<64x100xi32, #tpu.memory_space<vmem>> -> memref<1x100xi32, #tpu.memory_space<vmem>>
    %dma_start3A_46 = tpu.memref_squeeze %dma_start3A_45 : memref<1x100xi32, #tpu.memory_space<vmem>> -> memref<100xi32, #tpu.memory_space<vmem>>
    %dma_start3A_47 = arith.constant 0 : i32
    %dma_start3A_48 = arith.constant 0 : i32
    %dma_start3A_49 = tpu.memref_slice %arg3[%dma_start3A_47, %dma_start3A_48] : memref<100000x64xf32, #tpu.memory_space<hbm>> -> memref<100000x64xf32, #tpu.memory_space<hbm>>
    tpu.enqueue_indirect_dma source(%dma_start3A_49 : memref<100000x64xf32, #tpu.memory_space<hbm>>) target(%dma_start3A_43 : memref<100x64xf32, #tpu.memory_space<vmem>>) offsets(%dma_start3A_46 : memref<100xi32, #tpu.memory_space<vmem>>) semaphore(%arg11 : memref<!tpu.dma_semaphore, #tpu.memory_space<semaphore_mem>>)
    %scan3A = arith.constant 0 : i32
    %scan3A_50 = arith.constant 0 : i32
    %scan3A_51 = arith.constant 16 : i32
    %scan3A_52 = arith.addi %scan3A_50, %scan3A_51 : i32
    %scan3A_53 = arith.constant 1 : i32
    scf.for %scan3A_57 = %scan3A_50 to %scan3A_52 step %scan3A_53  : i32 {
      %mul3A_58 = arith.constant 4 : i32
      %mul3A_59 = arith.muli %scan3A_57, %mul3A_58 : i32
      %add3A_60 = arith.constant 0 : i32
      %add3A_61 = arith.addi %mul3A_59, %add3A_60 : i32
      %dma_wait3A = arith.constant 0 : i32
      %dma_wait3A_62 = arith.constant 0 : i32
      %dma_wait3A_63 = arith.constant 0 : i32
      %dma_wait3A_64 = tpu.memref_slice %arg6[%dma_wait3A, %dma_wait3A_62, %dma_wait3A_63] : memref<4x100x64xf32, #tpu.memory_space<vmem>> -> memref<1x100x64xf32, #tpu.memory_space<vmem>>
      %dma_wait3A_65 = tpu.memref_squeeze %dma_wait3A_64 : memref<1x100x64xf32, #tpu.memory_space<vmem>> -> memref<100x64xf32, #tpu.memory_space<vmem>>
      %dma_wait3A_66 = arith.constant 0 : i32
      %dma_wait3A_67 = tpu.memref_slice %arg5[%add3A_61, %dma_wait3A_66] : memref<64x100xi32, #tpu.memory_space<vmem>> -> memref<1x100xi32, #tpu.memory_space<vmem>>
      %dma_wait3A_68 = tpu.memref_squeeze %dma_wait3A_67 : memref<1x100xi32, #tpu.memory_space<vmem>> -> memref<100xi32, #tpu.memory_space<vmem>>
      %dma_wait3A_69 = arith.constant 0 : i32
      %dma_wait3A_70 = arith.constant 0 : i32
      %dma_wait3A_71 = tpu.memref_slice %arg3[%dma_wait3A_69, %dma_wait3A_70] : memref<100000x64xf32, #tpu.memory_space<hbm>> -> memref<100000x64xf32, #tpu.memory_space<hbm>>
      tpu.wait_indirect_dma semaphore(%arg8 : memref<!tpu.dma_semaphore, #tpu.memory_space<semaphore_mem>>) src(%dma_wait3A_71 : memref<100000x64xf32, #tpu.memory_space<hbm>>) dst(%dma_wait3A_65 : memref<100x64xf32, #tpu.memory_space<vmem>>)
      %broadcast_in_dim3A = arith.constant 0.000000e+00 : f32
      %broadcast_in_dim3A_72 = vector.broadcast %broadcast_in_dim3A : f32 to vector<16xf32>
      %scan3A_73 = arith.constant 0 : i32
      %scan3A_74 = arith.constant 25 : i32
      %scan3A_75 = arith.addi %scan3A_73, %scan3A_74 : i32
      %scan3A_76 = arith.constant 1 : i32
      %scan3A_77:8 = scf.for %scan3A_524 = %scan3A_73 to %scan3A_75 step %scan3A_76 iter_args(%scan3A_525 = %broadcast_in_dim3A_72, %scan3A_526 = %broadcast_in_dim3A_72, %scan3A_527 = %broadcast_in_dim3A_72, %scan3A_528 = %broadcast_in_dim3A_72, %scan3A_529 = %broadcast_in_dim3A_72, %scan3A_530 = %broadcast_in_dim3A_72, %scan3A_531 = %broadcast_in_dim3A_72, %scan3A_532 = %broadcast_in_dim3A_72) -> (vector<16xf32>, vector<16xf32>, vector<16xf32>, vector<16xf32>, vector<16xf32>, vector<16xf32>, vector<16xf32>, vector<16xf32>)  : i32 {
        %mul3A_533 = arith.constant 2 : i32
        %mul3A_534 = arith.muli %mul3A_533, %scan3A_524 : i32
        %add3A_535 = arith.constant 0 : i32
        %add3A_536 = arith.addi %add3A_535, %mul3A_534 : i32
        %add3A_537 = arith.constant 0 : i32
        %add3A_538 = arith.addi %add3A_536, %add3A_537 : i32
        %get3A = arith.constant 0 : i32
        %get3A_539 = arith.index_cast %get3A : i32 to index
        %get3A_540 = arith.index_cast %add3A_538 : i32 to index
        %get3A_541 = arith.constant 0 : index
        %get3A_542 = tpu.vector_load %arg6[%get3A_539, %get3A_540, %get3A_541] {strides = array<i32>} : memref<4x100x64xf32, #tpu.memory_space<vmem>>, vector<1x1x16xf32>,
        %get3A_543 = vector.shape_cast %get3A_542 : vector<1x1x16xf32> to vector<16xf32>
        %add3A_544 = arith.addf %scan3A_525, %get3A_543 : vector<16xf32>
        %add3A_545 = arith.constant 0 : i32
        %add3A_546 = arith.addi %add3A_545, %mul3A_534 : i32
        %add3A_547 = arith.constant 0 : i32
        %add3A_548 = arith.addi %add3A_546, %add3A_547 : i32
        %get3A_549 = arith.constant 0 : i32
        %get3A_550 = arith.index_cast %get3A_549 : i32 to index
        %get3A_551 = arith.index_cast %add3A_548 : i32 to index
        %get3A_552 = arith.constant 16 : index
        %get3A_553 = tpu.vector_load %arg6[%get3A_550, %get3A_551, %get3A_552] {strides = array<i32>} : memref<4x100x64xf32, #tpu.memory_space<vmem>>, vector<1x1x16xf32>,
        %get3A_554 = vector.shape_cast %get3A_553 : vector<1x1x16xf32> to vector<16xf32>
        %add3A_555 = arith.addf %scan3A_526, %get3A_554 : vector<16xf32>
        %add3A_556 = arith.constant 0 : i32
        %add3A_557 = arith.addi %add3A_556, %mul3A_534 : i32
        %add3A_558 = arith.constant 0 : i32
        %add3A_559 = arith.addi %add3A_557, %add3A_558 : i32
        %get3A_560 = arith.constant 0 : i32
        %get3A_561 = arith.index_cast %get3A_560 : i32 to index
        %get3A_562 = arith.index_cast %add3A_559 : i32 to index
        %get3A_563 = arith.constant 32 : index
        %get3A_564 = tpu.vector_load %arg6[%get3A_561, %get3A_562, %get3A_563] {strides = array<i32>} : memref<4x100x64xf32, #tpu.memory_space<vmem>>, vector<1x1x16xf32>,
        %get3A_565 = vector.shape_cast %get3A_564 : vector<1x1x16xf32> to vector<16xf32>
        %add3A_566 = arith.addf %scan3A_527, %get3A_565 : vector<16xf32>
        %add3A_567 = arith.constant 0 : i32
        %add3A_568 = arith.addi %add3A_567, %mul3A_534 : i32
        %add3A_569 = arith.constant 0 : i32
        %add3A_570 = arith.addi %add3A_568, %add3A_569 : i32
        %get3A_571 = arith.constant 0 : i32
        %get3A_572 = arith.index_cast %get3A_571 : i32 to index
        %get3A_573 = arith.index_cast %add3A_570 : i32 to index
        %get3A_574 = arith.constant 48 : index
        %get3A_575 = tpu.vector_load %arg6[%get3A_572, %get3A_573, %get3A_574] {strides = array<i32>} : memref<4x100x64xf32, #tpu.memory_space<vmem>>, vector<1x1x16xf32>,
        %get3A_576 = vector.shape_cast %get3A_575 : vector<1x1x16xf32> to vector<16xf32>
        %add3A_577 = arith.addf %scan3A_528, %get3A_576 : vector<16xf32>
        %add3A_578 = arith.constant 0 : i32
        %add3A_579 = arith.addi %add3A_578, %mul3A_534 : i32
        %add3A_580 = arith.constant 1 : i32
        %add3A_581 = arith.addi %add3A_579, %add3A_580 : i32
        %get3A_582 = arith.constant 0 : i32
        %get3A_583 = arith.index_cast %get3A_582 : i32 to index
        %get3A_584 = arith.index_cast %add3A_581 : i32 to index
        %get3A_585 = arith.constant 0 : index
        %get3A_586 = tpu.vector_load %arg6[%get3A_583, %get3A_584, %get3A_585] {strides = array<i32>} : memref<4x100x64xf32, #tpu.memory_space<vmem>>, vector<1x1x16xf32>,
        %get3A_587 = vector.shape_cast %get3A_586 : vector<1x1x16xf32> to vector<16xf32>
        %add3A_588 = arith.addf %scan3A_529, %get3A_587 : vector<16xf32>
        %add3A_589 = arith.constant 0 : i32
        %add3A_590 = arith.addi %add3A_589, %mul3A_534 : i32
        %add3A_591 = arith.constant 1 : i32
        %add3A_592 = arith.addi %add3A_590, %add3A_591 : i32
        %get3A_593 = arith.constant 0 : i32
        %get3A_594 = arith.index_cast %get3A_593 : i32 to index
        %get3A_595 = arith.index_cast %add3A_592 : i32 to index
        %get3A_596 = arith.constant 16 : index
        %get3A_597 = tpu.vector_load %arg6[%get3A_594, %get3A_595, %get3A_596] {strides = array<i32>} : memref<4x100x64xf32, #tpu.memory_space<vmem>>, vector<1x1x16xf32>,
        %get3A_598 = vector.shape_cast %get3A_597 : vector<1x1x16xf32> to vector<16xf32>
        %add3A_599 = arith.addf %scan3A_530, %get3A_598 : vector<16xf32>
        %add3A_600 = arith.constant 0 : i32
        %add3A_601 = arith.addi %add3A_600, %mul3A_534 : i32
        %add3A_602 = arith.constant 1 : i32
        %add3A_603 = arith.addi %add3A_601, %add3A_602 : i32
        %get3A_604 = arith.constant 0 : i32
        %get3A_605 = arith.index_cast %get3A_604 : i32 to index
        %get3A_606 = arith.index_cast %add3A_603 : i32 to index
        %get3A_607 = arith.constant 32 : index
        %get3A_608 = tpu.vector_load %arg6[%get3A_605, %get3A_606, %get3A_607] {strides = array<i32>} : memref<4x100x64xf32, #tpu.memory_space<vmem>>, vector<1x1x16xf32>,
        %get3A_609 = vector.shape_cast %get3A_608 : vector<1x1x16xf32> to vector<16xf32>
        %add3A_610 = arith.addf %scan3A_531, %get3A_609 : vector<16xf32>
        %add3A_611 = arith.constant 0 : i32
        %add3A_612 = arith.addi %add3A_611, %mul3A_534 : i32
        %add3A_613 = arith.constant 1 : i32
        %add3A_614 = arith.addi %add3A_612, %add3A_613 : i32
        %get3A_615 = arith.constant 0 : i32
        %get3A_616 = arith.index_cast %get3A_615 : i32 to index
        %get3A_617 = arith.index_cast %add3A_614 : i32 to index
        %get3A_618 = arith.constant 48 : index
        %get3A_619 = tpu.vector_load %arg6[%get3A_616, %get3A_617, %get3A_618] {strides = array<i32>} : memref<4x100x64xf32, #tpu.memory_space<vmem>>, vector<1x1x16xf32>,
        %get3A_620 = vector.shape_cast %get3A_619 : vector<1x1x16xf32> to vector<16xf32>
        %add3A_621 = arith.addf %scan3A_532, %get3A_620 : vector<16xf32>
        scf.yield %add3A_544, %add3A_555, %add3A_566, %add3A_577, %add3A_588, %add3A_599, %add3A_610, %add3A_621 : vector<16xf32>, vector<16xf32>, vector<16xf32>, vector<16xf32>, vector<16xf32>, vector<16xf32>, vector<16xf32>, vector<16xf32>
      }
      %scan3A_78 = arith.constant 25 : i32
      %mul3A_79 = arith.constant 2 : i32
      %mul3A_80 = arith.muli %mul3A_79, %add3A_61 : i32
      %add3A_81 = arith.constant 0 : i32
      %add3A_82 = arith.addi %mul3A_80, %add3A_81 : i32
      %add3A_83 = arith.addf %scan3A_77#0, %scan3A_77#4 : vector<16xf32>
      %mul3A_84 = arith.constant 2.000000e-02 : f32
      %mul3A_85 = vector.broadcast %mul3A_84 : f32 to vector<16xf32>
      %mul3A_86 = arith.mulf %add3A_83, %mul3A_85 : vector<16xf32>
      %swap3A = arith.index_cast %add3A_82 : i32 to index
      %swap3A_87 = arith.constant 0 : index
      %swap3A_88 = tpu.vector_load %arg7[%swap3A, %swap3A_87] {strides = array<i32>} : memref<128x64xf32, #tpu.memory_space<vmem>>, vector<1x16xf32>,
      %swap3A_89 = vector.shape_cast %swap3A_88 : vector<1x16xf32> to vector<16xf32>
      %swap3A_90 = vector.shape_cast %mul3A_86 : vector<16xf32> to vector<1x16xf32>
      tpu.vector_store %arg7[%swap3A, %swap3A_87], %swap3A_90 {strides = array<i32>} : memref<128x64xf32, #tpu.memory_space<vmem>>, vector<1x16xf32>,
      %add3A_91 = arith.addf %scan3A_77#1, %scan3A_77#5 : vector<16xf32>
      %mul3A_92 = arith.constant 2.000000e-02 : f32
      %mul3A_93 = vector.broadcast %mul3A_92 : f32 to vector<16xf32>
      %mul3A_94 = arith.mulf %add3A_91, %mul3A_93 : vector<16xf32>
      %swap3A_95 = arith.index_cast %add3A_82 : i32 to index
      %swap3A_96 = arith.constant 16 : index
      %swap3A_97 = tpu.vector_load %arg7[%swap3A_95, %swap3A_96] {strides = array<i32>} : memref<128x64xf32, #tpu.memory_space<vmem>>, vector<1x16xf32>,
      %swap3A_98 = vector.shape_cast %swap3A_97 : vector<1x16xf32> to vector<16xf32>
      %swap3A_99 = vector.shape_cast %mul3A_94 : vector<16xf32> to vector<1x16xf32>
      tpu.vector_store %arg7[%swap3A_95, %swap3A_96], %swap3A_99 {strides = array<i32>} : memref<128x64xf32, #tpu.memory_space<vmem>>, vector<1x16xf32>,
      %add3A_100 = arith.addf %scan3A_77#2, %scan3A_77#6 : vector<16xf32>
      %mul3A_101 = arith.constant 2.000000e-02 : f32
      %mul3A_102 = vector.broadcast %mul3A_101 : f32 to vector<16xf32>
      %mul3A_103 = arith.mulf %add3A_100, %mul3A_102 : vector<16xf32>
      %swap3A_104 = arith.index_cast %add3A_82 : i32 to index
      %swap3A_105 = arith.constant 32 : index
      %swap3A_106 = tpu.vector_load %arg7[%swap3A_104, %swap3A_105] {strides = array<i32>} : memref<128x64xf32, #tpu.memory_space<vmem>>, vector<1x16xf32>,
      %swap3A_107 = vector.shape_cast %swap3A_106 : vector<1x16xf32> to vector<16xf32>
      %swap3A_108 = vector.shape_cast %mul3A_103 : vector<16xf32> to vector<1x16xf32>
      tpu.vector_store %arg7[%swap3A_104, %swap3A_105], %swap3A_108 {strides = array<i32>} : memref<128x64xf32, #tpu.memory_space<vmem>>, vector<1x16xf32>,
      %add3A_109 = arith.addf %scan3A_77#3, %scan3A_77#7 : vector<16xf32>
      %mul3A_110 = arith.constant 2.000000e-02 : f32
      %mul3A_111 = vector.broadcast %mul3A_110 : f32 to vector<16xf32>
      %mul3A_112 = arith.mulf %add3A_109, %mul3A_111 : vector<16xf32>
      %swap3A_113 = arith.index_cast %add3A_82 : i32 to index
      %swap3A_114 = arith.constant 48 : index
      %swap3A_115 = tpu.vector_load %arg7[%swap3A_113, %swap3A_114] {strides = array<i32>} : memref<128x64xf32, #tpu.memory_space<vmem>>, vector<1x16xf32>,
      %swap3A_116 = vector.shape_cast %swap3A_115 : vector<1x16xf32> to vector<16xf32>
      %swap3A_117 = vector.shape_cast %mul3A_112 : vector<16xf32> to vector<1x16xf32>
      tpu.vector_store %arg7[%swap3A_113, %swap3A_114], %swap3A_117 {strides = array<i32>} : memref<128x64xf32, #tpu.memory_space<vmem>>, vector<1x16xf32>,
      %broadcast_in_dim3A_118 = arith.constant 0.000000e+00 : f32
      %broadcast_in_dim3A_119 = vector.broadcast %broadcast_in_dim3A_118 : f32 to vector<16xf32>
      %scan3A_120 = arith.constant 0 : i32
      %scan3A_121 = arith.constant 25 : i32
      %scan3A_122 = arith.addi %scan3A_120, %scan3A_121 : i32
      %scan3A_123 = arith.constant 1 : i32
      %scan3A_124:8 = scf.for %scan3A_524 = %scan3A_120 to %scan3A_122 step %scan3A_123 iter_args(%scan3A_525 = %broadcast_in_dim3A_119, %scan3A_526 = %broadcast_in_dim3A_119, %scan3A_527 = %broadcast_in_dim3A_119, %scan3A_528 = %broadcast_in_dim3A_119, %scan3A_529 = %broadcast_in_dim3A_119, %scan3A_530 = %broadcast_in_dim3A_119, %scan3A_531 = %broadcast_in_dim3A_119, %scan3A_532 = %broadcast_in_dim3A_119) -> (vector<16xf32>, vector<16xf32>, vector<16xf32>, vector<16xf32>, vector<16xf32>, vector<16xf32>, vector<16xf32>, vector<16xf32>)  : i32 {
        %mul3A_533 = arith.constant 2 : i32
        %mul3A_534 = arith.muli %mul3A_533, %scan3A_524 : i32
        %add3A_535 = arith.constant 50 : i32
        %add3A_536 = arith.addi %add3A_535, %mul3A_534 : i32
        %add3A_537 = arith.constant 0 : i32
        %add3A_538 = arith.addi %add3A_536, %add3A_537 : i32
        %get3A = arith.constant 0 : i32
        %get3A_539 = arith.index_cast %get3A : i32 to index
        %get3A_540 = arith.index_cast %add3A_538 : i32 to index
        %get3A_541 = arith.constant 0 : index
        %get3A_542 = tpu.vector_load %arg6[%get3A_539, %get3A_540, %get3A_541] {strides = array<i32>} : memref<4x100x64xf32, #tpu.memory_space<vmem>>, vector<1x1x16xf32>,
        %get3A_543 = vector.shape_cast %get3A_542 : vector<1x1x16xf32> to vector<16xf32>
        %add3A_544 = arith.addf %scan3A_525, %get3A_543 : vector<16xf32>
        %add3A_545 = arith.constant 50 : i32
        %add3A_546 = arith.addi %add3A_545, %mul3A_534 : i32
        %add3A_547 = arith.constant 0 : i32
        %add3A_548 = arith.addi %add3A_546, %add3A_547 : i32
        %get3A_549 = arith.constant 0 : i32
        %get3A_550 = arith.index_cast %get3A_549 : i32 to index
        %get3A_551 = arith.index_cast %add3A_548 : i32 to index
        %get3A_552 = arith.constant 16 : index
        %get3A_553 = tpu.vector_load %arg6[%get3A_550, %get3A_551, %get3A_552] {strides = array<i32>} : memref<4x100x64xf32, #tpu.memory_space<vmem>>, vector<1x1x16xf32>,
        %get3A_554 = vector.shape_cast %get3A_553 : vector<1x1x16xf32> to vector<16xf32>
        %add3A_555 = arith.addf %scan3A_526, %get3A_554 : vector<16xf32>
        %add3A_556 = arith.constant 50 : i32
        %add3A_557 = arith.addi %add3A_556, %mul3A_534 : i32
        %add3A_558 = arith.constant 0 : i32
        %add3A_559 = arith.addi %add3A_557, %add3A_558 : i32
        %get3A_560 = arith.constant 0 : i32
        %get3A_561 = arith.index_cast %get3A_560 : i32 to index
        %get3A_562 = arith.index_cast %add3A_559 : i32 to index
        %get3A_563 = arith.constant 32 : index
        %get3A_564 = tpu.vector_load %arg6[%get3A_561, %get3A_562, %get3A_563] {strides = array<i32>} : memref<4x100x64xf32, #tpu.memory_space<vmem>>, vector<1x1x16xf32>,
        %get3A_565 = vector.shape_cast %get3A_564 : vector<1x1x16xf32> to vector<16xf32>
        %add3A_566 = arith.addf %scan3A_527, %get3A_565 : vector<16xf32>
        %add3A_567 = arith.constant 50 : i32
        %add3A_568 = arith.addi %add3A_567, %mul3A_534 : i32
        %add3A_569 = arith.constant 0 : i32
        %add3A_570 = arith.addi %add3A_568, %add3A_569 : i32
        %get3A_571 = arith.constant 0 : i32
        %get3A_572 = arith.index_cast %get3A_571 : i32 to index
        %get3A_573 = arith.index_cast %add3A_570 : i32 to index
        %get3A_574 = arith.constant 48 : index
        %get3A_575 = tpu.vector_load %arg6[%get3A_572, %get3A_573, %get3A_574] {strides = array<i32>} : memref<4x100x64xf32, #tpu.memory_space<vmem>>, vector<1x1x16xf32>,
        %get3A_576 = vector.shape_cast %get3A_575 : vector<1x1x16xf32> to vector<16xf32>
        %add3A_577 = arith.addf %scan3A_528, %get3A_576 : vector<16xf32>
        %add3A_578 = arith.constant 50 : i32
        %add3A_579 = arith.addi %add3A_578, %mul3A_534 : i32
        %add3A_580 = arith.constant 1 : i32
        %add3A_581 = arith.addi %add3A_579, %add3A_580 : i32
        %get3A_582 = arith.constant 0 : i32
        %get3A_583 = arith.index_cast %get3A_582 : i32 to index
        %get3A_584 = arith.index_cast %add3A_581 : i32 to index
        %get3A_585 = arith.constant 0 : index
        %get3A_586 = tpu.vector_load %arg6[%get3A_583, %get3A_584, %get3A_585] {strides = array<i32>} : memref<4x100x64xf32, #tpu.memory_space<vmem>>, vector<1x1x16xf32>,
        %get3A_587 = vector.shape_cast %get3A_586 : vector<1x1x16xf32> to vector<16xf32>
        %add3A_588 = arith.addf %scan3A_529, %get3A_587 : vector<16xf32>
        %add3A_589 = arith.constant 50 : i32
        %add3A_590 = arith.addi %add3A_589, %mul3A_534 : i32
        %add3A_591 = arith.constant 1 : i32
        %add3A_592 = arith.addi %add3A_590, %add3A_591 : i32
        %get3A_593 = arith.constant 0 : i32
        %get3A_594 = arith.index_cast %get3A_593 : i32 to index
        %get3A_595 = arith.index_cast %add3A_592 : i32 to index
        %get3A_596 = arith.constant 16 : index
        %get3A_597 = tpu.vector_load %arg6[%get3A_594, %get3A_595, %get3A_596] {strides = array<i32>} : memref<4x100x64xf32, #tpu.memory_space<vmem>>, vector<1x1x16xf32>,
        %get3A_598 = vector.shape_cast %get3A_597 : vector<1x1x16xf32> to vector<16xf32>
        %add3A_599 = arith.addf %scan3A_530, %get3A_598 : vector<16xf32>
        %add3A_600 = arith.constant 50 : i32
        %add3A_601 = arith.addi %add3A_600, %mul3A_534 : i32
        %add3A_602 = arith.constant 1 : i32
        %add3A_603 = arith.addi %add3A_601, %add3A_602 : i32
        %get3A_604 = arith.constant 0 : i32
        %get3A_605 = arith.index_cast %get3A_604 : i32 to index
        %get3A_606 = arith.index_cast %add3A_603 : i32 to index
        %get3A_607 = arith.constant 32 : index
        %get3A_608 = tpu.vector_load %arg6[%get3A_605, %get3A_606, %get3A_607] {strides = array<i32>} : memref<4x100x64xf32, #tpu.memory_space<vmem>>, vector<1x1x16xf32>,
        %get3A_609 = vector.shape_cast %get3A_608 : vector<1x1x16xf32> to vector<16xf32>
        %add3A_610 = arith.addf %scan3A_531, %get3A_609 : vector<16xf32>
        %add3A_611 = arith.constant 50 : i32
        %add3A_612 = arith.addi %add3A_611, %mul3A_534 : i32
        %add3A_613 = arith.constant 1 : i32
        %add3A_614 = arith.addi %add3A_612, %add3A_613 : i32
        %get3A_615 = arith.constant 0 : i32
        %get3A_616 = arith.index_cast %get3A_615 : i32 to index
        %get3A_617 = arith.index_cast %add3A_614 : i32 to index
        %get3A_618 = arith.constant 48 : index
        %get3A_619 = tpu.vector_load %arg6[%get3A_616, %get3A_617, %get3A_618] {strides = array<i32>} : memref<4x100x64xf32, #tpu.memory_space<vmem>>, vector<1x1x16xf32>,
        %get3A_620 = vector.shape_cast %get3A_619 : vector<1x1x16xf32> to vector<16xf32>
        %add3A_621 = arith.addf %scan3A_532, %get3A_620 : vector<16xf32>
        scf.yield %add3A_544, %add3A_555, %add3A_566, %add3A_577, %add3A_588, %add3A_599, %add3A_610, %add3A_621 : vector<16xf32>, vector<16xf32>, vector<16xf32>, vector<16xf32>, vector<16xf32>, vector<16xf32>, vector<16xf32>, vector<16xf32>
      }
      %scan3A_125 = arith.constant 25 : i32
      %mul3A_126 = arith.constant 2 : i32
      %mul3A_127 = arith.muli %mul3A_126, %add3A_61 : i32
      %add3A_128 = arith.constant 1 : i32
      %add3A_129 = arith.addi %mul3A_127, %add3A_128 : i32
      %add3A_130 = arith.addf %scan3A_124#0, %scan3A_124#4 : vector<16xf32>
      %mul3A_131 = arith.constant 2.000000e-02 : f32
      %mul3A_132 = vector.broadcast %mul3A_131 : f32 to vector<16xf32>
      %mul3A_133 = arith.mulf %add3A_130, %mul3A_132 : vector<16xf32>
      %swap3A_134 = arith.index_cast %add3A_129 : i32 to index
      %swap3A_135 = arith.constant 0 : index
      %swap3A_136 = tpu.vector_load %arg7[%swap3A_134, %swap3A_135] {strides = array<i32>} : memref<128x64xf32, #tpu.memory_space<vmem>>, vector<1x16xf32>,
      %swap3A_137 = vector.shape_cast %swap3A_136 : vector<1x16xf32> to vector<16xf32>
      %swap3A_138 = vector.shape_cast %mul3A_133 : vector<16xf32> to vector<1x16xf32>
      tpu.vector_store %arg7[%swap3A_134, %swap3A_135], %swap3A_138 {strides = array<i32>} : memref<128x64xf32, #tpu.memory_space<vmem>>, vector<1x16xf32>,
      %add3A_139 = arith.addf %scan3A_124#1, %scan3A_124#5 : vector<16xf32>
      %mul3A_140 = arith.constant 2.000000e-02 : f32
      %mul3A_141 = vector.broadcast %mul3A_140 : f32 to vector<16xf32>
      %mul3A_142 = arith.mulf %add3A_139, %mul3A_141 : vector<16xf32>
      %swap3A_143 = arith.index_cast %add3A_129 : i32 to index
      %swap3A_144 = arith.constant 16 : index
      %swap3A_145 = tpu.vector_load %arg7[%swap3A_143, %swap3A_144] {strides = array<i32>} : memref<128x64xf32, #tpu.memory_space<vmem>>, vector<1x16xf32>,
      %swap3A_146 = vector.shape_cast %swap3A_145 : vector<1x16xf32> to vector<16xf32>
      %swap3A_147 = vector.shape_cast %mul3A_142 : vector<16xf32> to vector<1x16xf32>
      tpu.vector_store %arg7[%swap3A_143, %swap3A_144], %swap3A_147 {strides = array<i32>} : memref<128x64xf32, #tpu.memory_space<vmem>>, vector<1x16xf32>,
      %add3A_148 = arith.addf %scan3A_124#2, %scan3A_124#6 : vector<16xf32>
      %mul3A_149 = arith.constant 2.000000e-02 : f32
      %mul3A_150 = vector.broadcast %mul3A_149 : f32 to vector<16xf32>
      %mul3A_151 = arith.mulf %add3A_148, %mul3A_150 : vector<16xf32>
      %swap3A_152 = arith.index_cast %add3A_129 : i32 to index
      %swap3A_153 = arith.constant 32 : index
      %swap3A_154 = tpu.vector_load %arg7[%swap3A_152, %swap3A_153] {strides = array<i32>} : memref<128x64xf32, #tpu.memory_space<vmem>>, vector<1x16xf32>,
      %swap3A_155 = vector.shape_cast %swap3A_154 : vector<1x16xf32> to vector<16xf32>
      %swap3A_156 = vector.shape_cast %mul3A_151 : vector<16xf32> to vector<1x16xf32>
      tpu.vector_store %arg7[%swap3A_152, %swap3A_153], %swap3A_156 {strides = array<i32>} : memref<128x64xf32, #tpu.memory_space<vmem>>, vector<1x16xf32>,
      %add3A_157 = arith.addf %scan3A_124#3, %scan3A_124#7 : vector<16xf32>
      %mul3A_158 = arith.constant 2.000000e-02 : f32
      %mul3A_159 = vector.broadcast %mul3A_158 : f32 to vector<16xf32>
      %mul3A_160 = arith.mulf %add3A_157, %mul3A_159 : vector<16xf32>
      %swap3A_161 = arith.index_cast %add3A_129 : i32 to index
      %swap3A_162 = arith.constant 48 : index
      %swap3A_163 = tpu.vector_load %arg7[%swap3A_161, %swap3A_162] {strides = array<i32>} : memref<128x64xf32, #tpu.memory_space<vmem>>, vector<1x16xf32>,
      %swap3A_164 = vector.shape_cast %swap3A_163 : vector<1x16xf32> to vector<16xf32>
      %swap3A_165 = vector.shape_cast %mul3A_160 : vector<16xf32> to vector<1x16xf32>
      tpu.vector_store %arg7[%swap3A_161, %swap3A_162], %swap3A_165 {strides = array<i32>} : memref<128x64xf32, #tpu.memory_space<vmem>>, vector<1x16xf32>,
      %add3A_166 = arith.constant 4 : i32
      %add3A_167 = arith.addi %add3A_61, %add3A_166 : i32
      %lt3A = arith.constant 64 : i32
      %lt3A_168 = arith.cmpi slt, %add3A_167, %lt3A : i32
      %convert_element_type3A = arith.extui %lt3A_168 : i1 to i32
      %cond3A = arith.constant 0 : i32
      %cond3A_169 = arith.cmpi ne, %convert_element_type3A, %cond3A : i32
      scf.if %cond3A_169 {
        %add3A_524 = arith.constant 4 : i32
        %add3A_525 = arith.addi %add3A_61, %add3A_524 : i32
        %dma_start3A_526 = arith.constant 0 : i32
        %dma_start3A_527 = arith.constant 0 : i32
        %dma_start3A_528 = arith.constant 0 : i32
        %dma_start3A_529 = tpu.memref_slice %arg6[%dma_start3A_526, %dma_start3A_527, %dma_start3A_528] : memref<4x100x64xf32, #tpu.memory_space<vmem>> -> memref<1x100x64xf32, #tpu.memory_space<vmem>>
        %dma_start3A_530 = tpu.memref_squeeze %dma_start3A_529 : memref<1x100x64xf32, #tpu.memory_space<vmem>> -> memref<100x64xf32, #tpu.memory_space<vmem>>
        %dma_start3A_531 = arith.constant 0 : i32
        %dma_start3A_532 = tpu.memref_slice %arg5[%add3A_525, %dma_start3A_531] : memref<64x100xi32, #tpu.memory_space<vmem>> -> memref<1x100xi32, #tpu.memory_space<vmem>>
        %dma_start3A_533 = tpu.memref_squeeze %dma_start3A_532 : memref<1x100xi32, #tpu.memory_space<vmem>> -> memref<100xi32, #tpu.memory_space<vmem>>
        %dma_start3A_534 = arith.constant 0 : i32
        %dma_start3A_535 = arith.constant 0 : i32
        %dma_start3A_536 = tpu.memref_slice %arg3[%dma_start3A_534, %dma_start3A_535] : memref<100000x64xf32, #tpu.memory_space<hbm>> -> memref<100000x64xf32, #tpu.memory_space<hbm>>
        tpu.enqueue_indirect_dma source(%dma_start3A_536 : memref<100000x64xf32, #tpu.memory_space<hbm>>) target(%dma_start3A_530 : memref<100x64xf32, #tpu.memory_space<vmem>>) offsets(%dma_start3A_533 : memref<100xi32, #tpu.memory_space<vmem>>) semaphore(%arg8 : memref<!tpu.dma_semaphore, #tpu.memory_space<semaphore_mem>>)
      } else {
      }
      %mul3A_170 = arith.constant 4 : i32
      %mul3A_171 = arith.muli %scan3A_57, %mul3A_170 : i32
      %add3A_172 = arith.constant 1 : i32
      %add3A_173 = arith.addi %mul3A_171, %add3A_172 : i32
      %dma_wait3A_174 = arith.constant 1 : i32
      %dma_wait3A_175 = arith.constant 0 : i32
      %dma_wait3A_176 = arith.constant 0 : i32
      %dma_wait3A_177 = tpu.memref_slice %arg6[%dma_wait3A_174, %dma_wait3A_175, %dma_wait3A_176] : memref<4x100x64xf32, #tpu.memory_space<vmem>> -> memref<1x100x64xf32, #tpu.memory_space<vmem>>
      %dma_wait3A_178 = tpu.memref_squeeze %dma_wait3A_177 : memref<1x100x64xf32, #tpu.memory_space<vmem>> -> memref<100x64xf32, #tpu.memory_space<vmem>>
      %dma_wait3A_179 = arith.constant 0 : i32
      %dma_wait3A_180 = tpu.memref_slice %arg5[%add3A_173, %dma_wait3A_179] : memref<64x100xi32, #tpu.memory_space<vmem>> -> memref<1x100xi32, #tpu.memory_space<vmem>>
      %dma_wait3A_181 = tpu.memref_squeeze %dma_wait3A_180 : memref<1x100xi32, #tpu.memory_space<vmem>> -> memref<100xi32, #tpu.memory_space<vmem>>
      %dma_wait3A_182 = arith.constant 0 : i32
      %dma_wait3A_183 = arith.constant 0 : i32
      %dma_wait3A_184 = tpu.memref_slice %arg3[%dma_wait3A_182, %dma_wait3A_183] : memref<100000x64xf32, #tpu.memory_space<hbm>> -> memref<100000x64xf32, #tpu.memory_space<hbm>>
      tpu.wait_indirect_dma semaphore(%arg9 : memref<!tpu.dma_semaphore, #tpu.memory_space<semaphore_mem>>) src(%dma_wait3A_184 : memref<100000x64xf32, #tpu.memory_space<hbm>>) dst(%dma_wait3A_178 : memref<100x64xf32, #tpu.memory_space<vmem>>)
      %broadcast_in_dim3A_185 = arith.constant 0.000000e+00 : f32
      %broadcast_in_dim3A_186 = vector.broadcast %broadcast_in_dim3A_185 : f32 to vector<16xf32>
      %scan3A_187 = arith.constant 0 : i32
      %scan3A_188 = arith.constant 25 : i32
      %scan3A_189 = arith.addi %scan3A_187, %scan3A_188 : i32
      %scan3A_190 = arith.constant 1 : i32
      %scan3A_191:8 = scf.for %scan3A_524 = %scan3A_187 to %scan3A_189 step %scan3A_190 iter_args(%scan3A_525 = %broadcast_in_dim3A_186, %scan3A_526 = %broadcast_in_dim3A_186, %scan3A_527 = %broadcast_in_dim3A_186, %scan3A_528 = %broadcast_in_dim3A_186, %scan3A_529 = %broadcast_in_dim3A_186, %scan3A_530 = %broadcast_in_dim3A_186, %scan3A_531 = %broadcast_in_dim3A_186, %scan3A_532 = %broadcast_in_dim3A_186) -> (vector<16xf32>, vector<16xf32>, vector<16xf32>, vector<16xf32>, vector<16xf32>, vector<16xf32>, vector<16xf32>, vector<16xf32>)  : i32 {
        %mul3A_533 = arith.constant 2 : i32
        %mul3A_534 = arith.muli %mul3A_533, %scan3A_524 : i32
        %add3A_535 = arith.constant 0 : i32
        %add3A_536 = arith.addi %add3A_535, %mul3A_534 : i32
        %add3A_537 = arith.constant 0 : i32
        %add3A_538 = arith.addi %add3A_536, %add3A_537 : i32
        %get3A = arith.constant 1 : i32
        %get3A_539 = arith.index_cast %get3A : i32 to index
        %get3A_540 = arith.index_cast %add3A_538 : i32 to index
        %get3A_541 = arith.constant 0 : index
        %get3A_542 = tpu.vector_load %arg6[%get3A_539, %get3A_540, %get3A_541] {strides = array<i32>} : memref<4x100x64xf32, #tpu.memory_space<vmem>>, vector<1x1x16xf32>,
        %get3A_543 = vector.shape_cast %get3A_542 : vector<1x1x16xf32> to vector<16xf32>
        %add3A_544 = arith.addf %scan3A_525, %get3A_543 : vector<16xf32>
        %add3A_545 = arith.constant 0 : i32
        %add3A_546 = arith.addi %add3A_545, %mul3A_534 : i32
        %add3A_547 = arith.constant 0 : i32
        %add3A_548 = arith.addi %add3A_546, %add3A_547 : i32
        %get3A_549 = arith.constant 1 : i32
        %get3A_550 = arith.index_cast %get3A_549 : i32 to index
        %get3A_551 = arith.index_cast %add3A_548 : i32 to index
        %get3A_552 = arith.constant 16 : index
        %get3A_553 = tpu.vector_load %arg6[%get3A_550, %get3A_551, %get3A_552] {strides = array<i32>} : memref<4x100x64xf32, #tpu.memory_space<vmem>>, vector<1x1x16xf32>,
        %get3A_554 = vector.shape_cast %get3A_553 : vector<1x1x16xf32> to vector<16xf32>
        %add3A_555 = arith.addf %scan3A_526, %get3A_554 : vector<16xf32>
        %add3A_556 = arith.constant 0 : i32
        %add3A_557 = arith.addi %add3A_556, %mul3A_534 : i32
        %add3A_558 = arith.constant 0 : i32
        %add3A_559 = arith.addi %add3A_557, %add3A_558 : i32
        %get3A_560 = arith.constant 1 : i32
        %get3A_561 = arith.index_cast %get3A_560 : i32 to index
        %get3A_562 = arith.index_cast %add3A_559 : i32 to index
        %get3A_563 = arith.constant 32 : index
        %get3A_564 = tpu.vector_load %arg6[%get3A_561, %get3A_562, %get3A_563] {strides = array<i32>} : memref<4x100x64xf32, #tpu.memory_space<vmem>>, vector<1x1x16xf32>,
        %get3A_565 = vector.shape_cast %get3A_564 : vector<1x1x16xf32> to vector<16xf32>
        %add3A_566 = arith.addf %scan3A_527, %get3A_565 : vector<16xf32>
        %add3A_567 = arith.constant 0 : i32
        %add3A_568 = arith.addi %add3A_567, %mul3A_534 : i32
        %add3A_569 = arith.constant 0 : i32
        %add3A_570 = arith.addi %add3A_568, %add3A_569 : i32
        %get3A_571 = arith.constant 1 : i32
        %get3A_572 = arith.index_cast %get3A_571 : i32 to index
        %get3A_573 = arith.index_cast %add3A_570 : i32 to index
        %get3A_574 = arith.constant 48 : index
        %get3A_575 = tpu.vector_load %arg6[%get3A_572, %get3A_573, %get3A_574] {strides = array<i32>} : memref<4x100x64xf32, #tpu.memory_space<vmem>>, vector<1x1x16xf32>,
        %get3A_576 = vector.shape_cast %get3A_575 : vector<1x1x16xf32> to vector<16xf32>
        %add3A_577 = arith.addf %scan3A_528, %get3A_576 : vector<16xf32>
        %add3A_578 = arith.constant 0 : i32
        %add3A_579 = arith.addi %add3A_578, %mul3A_534 : i32
        %add3A_580 = arith.constant 1 : i32
        %add3A_581 = arith.addi %add3A_579, %add3A_580 : i32
        %get3A_582 = arith.constant 1 : i32
        %get3A_583 = arith.index_cast %get3A_582 : i32 to index
        %get3A_584 = arith.index_cast %add3A_581 : i32 to index
        %get3A_585 = arith.constant 0 : index
        %get3A_586 = tpu.vector_load %arg6[%get3A_583, %get3A_584, %get3A_585] {strides = array<i32>} : memref<4x100x64xf32, #tpu.memory_space<vmem>>, vector<1x1x16xf32>,
        %get3A_587 = vector.shape_cast %get3A_586 : vector<1x1x16xf32> to vector<16xf32>
        %add3A_588 = arith.addf %scan3A_529, %get3A_587 : vector<16xf32>
        %add3A_589 = arith.constant 0 : i32
        %add3A_590 = arith.addi %add3A_589, %mul3A_534 : i32
        %add3A_591 = arith.constant 1 : i32
        %add3A_592 = arith.addi %add3A_590, %add3A_591 : i32
        %get3A_593 = arith.constant 1 : i32
        %get3A_594 = arith.index_cast %get3A_593 : i32 to index
        %get3A_595 = arith.index_cast %add3A_592 : i32 to index
        %get3A_596 = arith.constant 16 : index
        %get3A_597 = tpu.vector_load %arg6[%get3A_594, %get3A_595, %get3A_596] {strides = array<i32>} : memref<4x100x64xf32, #tpu.memory_space<vmem>>, vector<1x1x16xf32>,
        %get3A_598 = vector.shape_cast %get3A_597 : vector<1x1x16xf32> to vector<16xf32>
        %add3A_599 = arith.addf %scan3A_530, %get3A_598 : vector<16xf32>
        %add3A_600 = arith.constant 0 : i32
        %add3A_601 = arith.addi %add3A_600, %mul3A_534 : i32
        %add3A_602 = arith.constant 1 : i32
        %add3A_603 = arith.addi %add3A_601, %add3A_602 : i32
        %get3A_604 = arith.constant 1 : i32
        %get3A_605 = arith.index_cast %get3A_604 : i32 to index
        %get3A_606 = arith.index_cast %add3A_603 : i32 to index
        %get3A_607 = arith.constant 32 : index
        %get3A_608 = tpu.vector_load %arg6[%get3A_605, %get3A_606, %get3A_607] {strides = array<i32>} : memref<4x100x64xf32, #tpu.memory_space<vmem>>, vector<1x1x16xf32>,
        %get3A_609 = vector.shape_cast %get3A_608 : vector<1x1x16xf32> to vector<16xf32>
        %add3A_610 = arith.addf %scan3A_531, %get3A_609 : vector<16xf32>
        %add3A_611 = arith.constant 0 : i32
        %add3A_612 = arith.addi %add3A_611, %mul3A_534 : i32
        %add3A_613 = arith.constant 1 : i32
        %add3A_614 = arith.addi %add3A_612, %add3A_613 : i32
        %get3A_615 = arith.constant 1 : i32
        %get3A_616 = arith.index_cast %get3A_615 : i32 to index
        %get3A_617 = arith.index_cast %add3A_614 : i32 to index
        %get3A_618 = arith.constant 48 : index
        %get3A_619 = tpu.vector_load %arg6[%get3A_616, %get3A_617, %get3A_618] {strides = array<i32>} : memref<4x100x64xf32, #tpu.memory_space<vmem>>, vector<1x1x16xf32>,
        %get3A_620 = vector.shape_cast %get3A_619 : vector<1x1x16xf32> to vector<16xf32>
        %add3A_621 = arith.addf %scan3A_532, %get3A_620 : vector<16xf32>
        scf.yield %add3A_544, %add3A_555, %add3A_566, %add3A_577, %add3A_588, %add3A_599, %add3A_610, %add3A_621 : vector<16xf32>, vector<16xf32>, vector<16xf32>, vector<16xf32>, vector<16xf32>, vector<16xf32>, vector<16xf32>, vector<16xf32>
      }
      %scan3A_192 = arith.constant 25 : i32
      %mul3A_193 = arith.constant 2 : i32
      %mul3A_194 = arith.muli %mul3A_193, %add3A_173 : i32
      %add3A_195 = arith.constant 0 : i32
      %add3A_196 = arith.addi %mul3A_194, %add3A_195 : i32
      %add3A_197 = arith.addf %scan3A_191#0, %scan3A_191#4 : vector<16xf32>
      %mul3A_198 = arith.constant 2.000000e-02 : f32
      %mul3A_199 = vector.broadcast %mul3A_198 : f32 to vector<16xf32>
      %mul3A_200 = arith.mulf %add3A_197, %mul3A_199 : vector<16xf32>
      %swap3A_201 = arith.index_cast %add3A_196 : i32 to index
      %swap3A_202 = arith.constant 0 : index
      %swap3A_203 = tpu.vector_load %arg7[%swap3A_201, %swap3A_202] {strides = array<i32>} : memref<128x64xf32, #tpu.memory_space<vmem>>, vector<1x16xf32>,
      %swap3A_204 = vector.shape_cast %swap3A_203 : vector<1x16xf32> to vector<16xf32>
      %swap3A_205 = vector.shape_cast %mul3A_200 : vector<16xf32> to vector<1x16xf32>
      tpu.vector_store %arg7[%swap3A_201, %swap3A_202], %swap3A_205 {strides = array<i32>} : memref<128x64xf32, #tpu.memory_space<vmem>>, vector<1x16xf32>,
      %add3A_206 = arith.addf %scan3A_191#1, %scan3A_191#5 : vector<16xf32>
      %mul3A_207 = arith.constant 2.000000e-02 : f32
      %mul3A_208 = vector.broadcast %mul3A_207 : f32 to vector<16xf32>
      %mul3A_209 = arith.mulf %add3A_206, %mul3A_208 : vector<16xf32>
      %swap3A_210 = arith.index_cast %add3A_196 : i32 to index
      %swap3A_211 = arith.constant 16 : index
      %swap3A_212 = tpu.vector_load %arg7[%swap3A_210, %swap3A_211] {strides = array<i32>} : memref<128x64xf32, #tpu.memory_space<vmem>>, vector<1x16xf32>,
      %swap3A_213 = vector.shape_cast %swap3A_212 : vector<1x16xf32> to vector<16xf32>
      %swap3A_214 = vector.shape_cast %mul3A_209 : vector<16xf32> to vector<1x16xf32>
      tpu.vector_store %arg7[%swap3A_210, %swap3A_211], %swap3A_214 {strides = array<i32>} : memref<128x64xf32, #tpu.memory_space<vmem>>, vector<1x16xf32>,
      %add3A_215 = arith.addf %scan3A_191#2, %scan3A_191#6 : vector<16xf32>
      %mul3A_216 = arith.constant 2.000000e-02 : f32
      %mul3A_217 = vector.broadcast %mul3A_216 : f32 to vector<16xf32>
      %mul3A_218 = arith.mulf %add3A_215, %mul3A_217 : vector<16xf32>
      %swap3A_219 = arith.index_cast %add3A_196 : i32 to index
      %swap3A_220 = arith.constant 32 : index
      %swap3A_221 = tpu.vector_load %arg7[%swap3A_219, %swap3A_220] {strides = array<i32>} : memref<128x64xf32, #tpu.memory_space<vmem>>, vector<1x16xf32>,
      %swap3A_222 = vector.shape_cast %swap3A_221 : vector<1x16xf32> to vector<16xf32>
      %swap3A_223 = vector.shape_cast %mul3A_218 : vector<16xf32> to vector<1x16xf32>
      tpu.vector_store %arg7[%swap3A_219, %swap3A_220], %swap3A_223 {strides = array<i32>} : memref<128x64xf32, #tpu.memory_space<vmem>>, vector<1x16xf32>,
      %add3A_224 = arith.addf %scan3A_191#3, %scan3A_191#7 : vector<16xf32>
      %mul3A_225 = arith.constant 2.000000e-02 : f32
      %mul3A_226 = vector.broadcast %mul3A_225 : f32 to vector<16xf32>
      %mul3A_227 = arith.mulf %add3A_224, %mul3A_226 : vector<16xf32>
      %swap3A_228 = arith.index_cast %add3A_196 : i32 to index
      %swap3A_229 = arith.constant 48 : index
      %swap3A_230 = tpu.vector_load %arg7[%swap3A_228, %swap3A_229] {strides = array<i32>} : memref<128x64xf32, #tpu.memory_space<vmem>>, vector<1x16xf32>,
      %swap3A_231 = vector.shape_cast %swap3A_230 : vector<1x16xf32> to vector<16xf32>
      %swap3A_232 = vector.shape_cast %mul3A_227 : vector<16xf32> to vector<1x16xf32>
      tpu.vector_store %arg7[%swap3A_228, %swap3A_229], %swap3A_232 {strides = array<i32>} : memref<128x64xf32, #tpu.memory_space<vmem>>, vector<1x16xf32>,
      %broadcast_in_dim3A_233 = arith.constant 0.000000e+00 : f32
      %broadcast_in_dim3A_234 = vector.broadcast %broadcast_in_dim3A_233 : f32 to vector<16xf32>
      %scan3A_235 = arith.constant 0 : i32
      %scan3A_236 = arith.constant 25 : i32
      %scan3A_237 = arith.addi %scan3A_235, %scan3A_236 : i32
      %scan3A_238 = arith.constant 1 : i32
      %scan3A_239:8 = scf.for %scan3A_524 = %scan3A_235 to %scan3A_237 step %scan3A_238 iter_args(%scan3A_525 = %broadcast_in_dim3A_234, %scan3A_526 = %broadcast_in_dim3A_234, %scan3A_527 = %broadcast_in_dim3A_234, %scan3A_528 = %broadcast_in_dim3A_234, %scan3A_529 = %broadcast_in_dim3A_234, %scan3A_530 = %broadcast_in_dim3A_234, %scan3A_531 = %broadcast_in_dim3A_234, %scan3A_532 = %broadcast_in_dim3A_234) -> (vector<16xf32>, vector<16xf32>, vector<16xf32>, vector<16xf32>, vector<16xf32>, vector<16xf32>, vector<16xf32>, vector<16xf32>)  : i32 {
        %mul3A_533 = arith.constant 2 : i32
        %mul3A_534 = arith.muli %mul3A_533, %scan3A_524 : i32
        %add3A_535 = arith.constant 50 : i32
        %add3A_536 = arith.addi %add3A_535, %mul3A_534 : i32
        %add3A_537 = arith.constant 0 : i32
        %add3A_538 = arith.addi %add3A_536, %add3A_537 : i32
        %get3A = arith.constant 1 : i32
        %get3A_539 = arith.index_cast %get3A : i32 to index
        %get3A_540 = arith.index_cast %add3A_538 : i32 to index
        %get3A_541 = arith.constant 0 : index
        %get3A_542 = tpu.vector_load %arg6[%get3A_539, %get3A_540, %get3A_541] {strides = array<i32>} : memref<4x100x64xf32, #tpu.memory_space<vmem>>, vector<1x1x16xf32>,
        %get3A_543 = vector.shape_cast %get3A_542 : vector<1x1x16xf32> to vector<16xf32>
        %add3A_544 = arith.addf %scan3A_525, %get3A_543 : vector<16xf32>
        %add3A_545 = arith.constant 50 : i32
        %add3A_546 = arith.addi %add3A_545, %mul3A_534 : i32
        %add3A_547 = arith.constant 0 : i32
        %add3A_548 = arith.addi %add3A_546, %add3A_547 : i32
        %get3A_549 = arith.constant 1 : i32
        %get3A_550 = arith.index_cast %get3A_549 : i32 to index
        %get3A_551 = arith.index_cast %add3A_548 : i32 to index
        %get3A_552 = arith.constant 16 : index
        %get3A_553 = tpu.vector_load %arg6[%get3A_550, %get3A_551, %get3A_552] {strides = array<i32>} : memref<4x100x64xf32, #tpu.memory_space<vmem>>, vector<1x1x16xf32>,
        %get3A_554 = vector.shape_cast %get3A_553 : vector<1x1x16xf32> to vector<16xf32>
        %add3A_555 = arith.addf %scan3A_526, %get3A_554 : vector<16xf32>
        %add3A_556 = arith.constant 50 : i32
        %add3A_557 = arith.addi %add3A_556, %mul3A_534 : i32
        %add3A_558 = arith.constant 0 : i32
        %add3A_559 = arith.addi %add3A_557, %add3A_558 : i32
        %get3A_560 = arith.constant 1 : i32
        %get3A_561 = arith.index_cast %get3A_560 : i32 to index
        %get3A_562 = arith.index_cast %add3A_559 : i32 to index
        %get3A_563 = arith.constant 32 : index
        %get3A_564 = tpu.vector_load %arg6[%get3A_561, %get3A_562, %get3A_563] {strides = array<i32>} : memref<4x100x64xf32, #tpu.memory_space<vmem>>, vector<1x1x16xf32>,
        %get3A_565 = vector.shape_cast %get3A_564 : vector<1x1x16xf32> to vector<16xf32>
        %add3A_566 = arith.addf %scan3A_527, %get3A_565 : vector<16xf32>
        %add3A_567 = arith.constant 50 : i32
        %add3A_568 = arith.addi %add3A_567, %mul3A_534 : i32
        %add3A_569 = arith.constant 0 : i32
        %add3A_570 = arith.addi %add3A_568, %add3A_569 : i32
        %get3A_571 = arith.constant 1 : i32
        %get3A_572 = arith.index_cast %get3A_571 : i32 to index
        %get3A_573 = arith.index_cast %add3A_570 : i32 to index
        %get3A_574 = arith.constant 48 : index
        %get3A_575 = tpu.vector_load %arg6[%get3A_572, %get3A_573, %get3A_574] {strides = array<i32>} : memref<4x100x64xf32, #tpu.memory_space<vmem>>, vector<1x1x16xf32>,
        %get3A_576 = vector.shape_cast %get3A_575 : vector<1x1x16xf32> to vector<16xf32>
        %add3A_577 = arith.addf %scan3A_528, %get3A_576 : vector<16xf32>
        %add3A_578 = arith.constant 50 : i32
        %add3A_579 = arith.addi %add3A_578, %mul3A_534 : i32
        %add3A_580 = arith.constant 1 : i32
        %add3A_581 = arith.addi %add3A_579, %add3A_580 : i32
        %get3A_582 = arith.constant 1 : i32
        %get3A_583 = arith.index_cast %get3A_582 : i32 to index
        %get3A_584 = arith.index_cast %add3A_581 : i32 to index
        %get3A_585 = arith.constant 0 : index
        %get3A_586 = tpu.vector_load %arg6[%get3A_583, %get3A_584, %get3A_585] {strides = array<i32>} : memref<4x100x64xf32, #tpu.memory_space<vmem>>, vector<1x1x16xf32>,
        %get3A_587 = vector.shape_cast %get3A_586 : vector<1x1x16xf32> to vector<16xf32>
        %add3A_588 = arith.addf %scan3A_529, %get3A_587 : vector<16xf32>
        %add3A_589 = arith.constant 50 : i32
        %add3A_590 = arith.addi %add3A_589, %mul3A_534 : i32
        %add3A_591 = arith.constant 1 : i32
        %add3A_592 = arith.addi %add3A_590, %add3A_591 : i32
        %get3A_593 = arith.constant 1 : i32
        %get3A_594 = arith.index_cast %get3A_593 : i32 to index
        %get3A_595 = arith.index_cast %add3A_592 : i32 to index
        %get3A_596 = arith.constant 16 : index
        %get3A_597 = tpu.vector_load %arg6[%get3A_594, %get3A_595, %get3A_596] {strides = array<i32>} : memref<4x100x64xf32, #tpu.memory_space<vmem>>, vector<1x1x16xf32>,
        %get3A_598 = vector.shape_cast %get3A_597 : vector<1x1x16xf32> to vector<16xf32>
        %add3A_599 = arith.addf %scan3A_530, %get3A_598 : vector<16xf32>
        %add3A_600 = arith.constant 50 : i32
        %add3A_601 = arith.addi %add3A_600, %mul3A_534 : i32
        %add3A_602 = arith.constant 1 : i32
        %add3A_603 = arith.addi %add3A_601, %add3A_602 : i32
        %get3A_604 = arith.constant 1 : i32
        %get3A_605 = arith.index_cast %get3A_604 : i32 to index
        %get3A_606 = arith.index_cast %add3A_603 : i32 to index
        %get3A_607 = arith.constant 32 : index
        %get3A_608 = tpu.vector_load %arg6[%get3A_605, %get3A_606, %get3A_607] {strides = array<i32>} : memref<4x100x64xf32, #tpu.memory_space<vmem>>, vector<1x1x16xf32>,
        %get3A_609 = vector.shape_cast %get3A_608 : vector<1x1x16xf32> to vector<16xf32>
        %add3A_610 = arith.addf %scan3A_531, %get3A_609 : vector<16xf32>
        %add3A_611 = arith.constant 50 : i32
        %add3A_612 = arith.addi %add3A_611, %mul3A_534 : i32
        %add3A_613 = arith.constant 1 : i32
        %add3A_614 = arith.addi %add3A_612, %add3A_613 : i32
        %get3A_615 = arith.constant 1 : i32
        %get3A_616 = arith.index_cast %get3A_615 : i32 to index
        %get3A_617 = arith.index_cast %add3A_614 : i32 to index
        %get3A_618 = arith.constant 48 : index
        %get3A_619 = tpu.vector_load %arg6[%get3A_616, %get3A_617, %get3A_618] {strides = array<i32>} : memref<4x100x64xf32, #tpu.memory_space<vmem>>, vector<1x1x16xf32>,
        %get3A_620 = vector.shape_cast %get3A_619 : vector<1x1x16xf32> to vector<16xf32>
        %add3A_621 = arith.addf %scan3A_532, %get3A_620 : vector<16xf32>
        scf.yield %add3A_544, %add3A_555, %add3A_566, %add3A_577, %add3A_588, %add3A_599, %add3A_610, %add3A_621 : vector<16xf32>, vector<16xf32>, vector<16xf32>, vector<16xf32>, vector<16xf32>, vector<16xf32>, vector<16xf32>, vector<16xf32>
      }
      %scan3A_240 = arith.constant 25 : i32
      %mul3A_241 = arith.constant 2 : i32
      %mul3A_242 = arith.muli %mul3A_241, %add3A_173 : i32
      %add3A_243 = arith.constant 1 : i32
      %add3A_244 = arith.addi %mul3A_242, %add3A_243 : i32
      %add3A_245 = arith.addf %scan3A_239#0, %scan3A_239#4 : vector<16xf32>
      %mul3A_246 = arith.constant 2.000000e-02 : f32
      %mul3A_247 = vector.broadcast %mul3A_246 : f32 to vector<16xf32>
      %mul3A_248 = arith.mulf %add3A_245, %mul3A_247 : vector<16xf32>
      %swap3A_249 = arith.index_cast %add3A_244 : i32 to index
      %swap3A_250 = arith.constant 0 : index
      %swap3A_251 = tpu.vector_load %arg7[%swap3A_249, %swap3A_250] {strides = array<i32>} : memref<128x64xf32, #tpu.memory_space<vmem>>, vector<1x16xf32>,
      %swap3A_252 = vector.shape_cast %swap3A_251 : vector<1x16xf32> to vector<16xf32>
      %swap3A_253 = vector.shape_cast %mul3A_248 : vector<16xf32> to vector<1x16xf32>
      tpu.vector_store %arg7[%swap3A_249, %swap3A_250], %swap3A_253 {strides = array<i32>} : memref<128x64xf32, #tpu.memory_space<vmem>>, vector<1x16xf32>,
      %add3A_254 = arith.addf %scan3A_239#1, %scan3A_239#5 : vector<16xf32>
      %mul3A_255 = arith.constant 2.000000e-02 : f32
      %mul3A_256 = vector.broadcast %mul3A_255 : f32 to vector<16xf32>
      %mul3A_257 = arith.mulf %add3A_254, %mul3A_256 : vector<16xf32>
      %swap3A_258 = arith.index_cast %add3A_244 : i32 to index
      %swap3A_259 = arith.constant 16 : index
      %swap3A_260 = tpu.vector_load %arg7[%swap3A_258, %swap3A_259] {strides = array<i32>} : memref<128x64xf32, #tpu.memory_space<vmem>>, vector<1x16xf32>,
      %swap3A_261 = vector.shape_cast %swap3A_260 : vector<1x16xf32> to vector<16xf32>
      %swap3A_262 = vector.shape_cast %mul3A_257 : vector<16xf32> to vector<1x16xf32>
      tpu.vector_store %arg7[%swap3A_258, %swap3A_259], %swap3A_262 {strides = array<i32>} : memref<128x64xf32, #tpu.memory_space<vmem>>, vector<1x16xf32>,
      %add3A_263 = arith.addf %scan3A_239#2, %scan3A_239#6 : vector<16xf32>
      %mul3A_264 = arith.constant 2.000000e-02 : f32
      %mul3A_265 = vector.broadcast %mul3A_264 : f32 to vector<16xf32>
      %mul3A_266 = arith.mulf %add3A_263, %mul3A_265 : vector<16xf32>
      %swap3A_267 = arith.index_cast %add3A_244 : i32 to index
      %swap3A_268 = arith.constant 32 : index
      %swap3A_269 = tpu.vector_load %arg7[%swap3A_267, %swap3A_268] {strides = array<i32>} : memref<128x64xf32, #tpu.memory_space<vmem>>, vector<1x16xf32>,
      %swap3A_270 = vector.shape_cast %swap3A_269 : vector<1x16xf32> to vector<16xf32>
      %swap3A_271 = vector.shape_cast %mul3A_266 : vector<16xf32> to vector<1x16xf32>
      tpu.vector_store %arg7[%swap3A_267, %swap3A_268], %swap3A_271 {strides = array<i32>} : memref<128x64xf32, #tpu.memory_space<vmem>>, vector<1x16xf32>,
      %add3A_272 = arith.addf %scan3A_239#3, %scan3A_239#7 : vector<16xf32>
      %mul3A_273 = arith.constant 2.000000e-02 : f32
      %mul3A_274 = vector.broadcast %mul3A_273 : f32 to vector<16xf32>
      %mul3A_275 = arith.mulf %add3A_272, %mul3A_274 : vector<16xf32>
      %swap3A_276 = arith.index_cast %add3A_244 : i32 to index
      %swap3A_277 = arith.constant 48 : index
      %swap3A_278 = tpu.vector_load %arg7[%swap3A_276, %swap3A_277] {strides = array<i32>} : memref<128x64xf32, #tpu.memory_space<vmem>>, vector<1x16xf32>,
      %swap3A_279 = vector.shape_cast %swap3A_278 : vector<1x16xf32> to vector<16xf32>
      %swap3A_280 = vector.shape_cast %mul3A_275 : vector<16xf32> to vector<1x16xf32>
      tpu.vector_store %arg7[%swap3A_276, %swap3A_277], %swap3A_280 {strides = array<i32>} : memref<128x64xf32, #tpu.memory_space<vmem>>, vector<1x16xf32>,
      %add3A_281 = arith.constant 4 : i32
      %add3A_282 = arith.addi %add3A_173, %add3A_281 : i32
      %lt3A_283 = arith.constant 64 : i32
      %lt3A_284 = arith.cmpi slt, %add3A_282, %lt3A_283 : i32
      %convert_element_type3A_285 = arith.extui %lt3A_284 : i1 to i32
      %cond3A_286 = arith.constant 0 : i32
      %cond3A_287 = arith.cmpi ne, %convert_element_type3A_285, %cond3A_286 : i32
      scf.if %cond3A_287 {
        %add3A_524 = arith.constant 4 : i32
        %add3A_525 = arith.addi %add3A_173, %add3A_524 : i32
        %dma_start3A_526 = arith.constant 1 : i32
        %dma_start3A_527 = arith.constant 0 : i32
        %dma_start3A_528 = arith.constant 0 : i32
        %dma_start3A_529 = tpu.memref_slice %arg6[%dma_start3A_526, %dma_start3A_527, %dma_start3A_528] : memref<4x100x64xf32, #tpu.memory_space<vmem>> -> memref<1x100x64xf32, #tpu.memory_space<vmem>>
        %dma_start3A_530 = tpu.memref_squeeze %dma_start3A_529 : memref<1x100x64xf32, #tpu.memory_space<vmem>> -> memref<100x64xf32, #tpu.memory_space<vmem>>
        %dma_start3A_531 = arith.constant 0 : i32
        %dma_start3A_532 = tpu.memref_slice %arg5[%add3A_525, %dma_start3A_531] : memref<64x100xi32, #tpu.memory_space<vmem>> -> memref<1x100xi32, #tpu.memory_space<vmem>>
        %dma_start3A_533 = tpu.memref_squeeze %dma_start3A_532 : memref<1x100xi32, #tpu.memory_space<vmem>> -> memref<100xi32, #tpu.memory_space<vmem>>
        %dma_start3A_534 = arith.constant 0 : i32
        %dma_start3A_535 = arith.constant 0 : i32
        %dma_start3A_536 = tpu.memref_slice %arg3[%dma_start3A_534, %dma_start3A_535] : memref<100000x64xf32, #tpu.memory_space<hbm>> -> memref<100000x64xf32, #tpu.memory_space<hbm>>
        tpu.enqueue_indirect_dma source(%dma_start3A_536 : memref<100000x64xf32, #tpu.memory_space<hbm>>) target(%dma_start3A_530 : memref<100x64xf32, #tpu.memory_space<vmem>>) offsets(%dma_start3A_533 : memref<100xi32, #tpu.memory_space<vmem>>) semaphore(%arg9 : memref<!tpu.dma_semaphore, #tpu.memory_space<semaphore_mem>>)
      } else {
      }
      %mul3A_288 = arith.constant 4 : i32
      %mul3A_289 = arith.muli %scan3A_57, %mul3A_288 : i32
      %add3A_290 = arith.constant 2 : i32
      %add3A_291 = arith.addi %mul3A_289, %add3A_290 : i32
      %dma_wait3A_292 = arith.constant 2 : i32
      %dma_wait3A_293 = arith.constant 0 : i32
      %dma_wait3A_294 = arith.constant 0 : i32
      %dma_wait3A_295 = tpu.memref_slice %arg6[%dma_wait3A_292, %dma_wait3A_293, %dma_wait3A_294] : memref<4x100x64xf32, #tpu.memory_space<vmem>> -> memref<1x100x64xf32, #tpu.memory_space<vmem>>
      %dma_wait3A_296 = tpu.memref_squeeze %dma_wait3A_295 : memref<1x100x64xf32, #tpu.memory_space<vmem>> -> memref<100x64xf32, #tpu.memory_space<vmem>>
      %dma_wait3A_297 = arith.constant 0 : i32
      %dma_wait3A_298 = tpu.memref_slice %arg5[%add3A_291, %dma_wait3A_297] : memref<64x100xi32, #tpu.memory_space<vmem>> -> memref<1x100xi32, #tpu.memory_space<vmem>>
      %dma_wait3A_299 = tpu.memref_squeeze %dma_wait3A_298 : memref<1x100xi32, #tpu.memory_space<vmem>> -> memref<100xi32, #tpu.memory_space<vmem>>
      %dma_wait3A_300 = arith.constant 0 : i32
      %dma_wait3A_301 = arith.constant 0 : i32
      %dma_wait3A_302 = tpu.memref_slice %arg3[%dma_wait3A_300, %dma_wait3A_301] : memref<100000x64xf32, #tpu.memory_space<hbm>> -> memref<100000x64xf32, #tpu.memory_space<hbm>>
      tpu.wait_indirect_dma semaphore(%arg10 : memref<!tpu.dma_semaphore, #tpu.memory_space<semaphore_mem>>) src(%dma_wait3A_302 : memref<100000x64xf32, #tpu.memory_space<hbm>>) dst(%dma_wait3A_296 : memref<100x64xf32, #tpu.memory_space<vmem>>)
      %broadcast_in_dim3A_303 = arith.constant 0.000000e+00 : f32
      %broadcast_in_dim3A_304 = vector.broadcast %broadcast_in_dim3A_303 : f32 to vector<16xf32>
      %scan3A_305 = arith.constant 0 : i32
      %scan3A_306 = arith.constant 25 : i32
      %scan3A_307 = arith.addi %scan3A_305, %scan3A_306 : i32
      %scan3A_308 = arith.constant 1 : i32
      %scan3A_309:8 = scf.for %scan3A_524 = %scan3A_305 to %scan3A_307 step %scan3A_308 iter_args(%scan3A_525 = %broadcast_in_dim3A_304, %scan3A_526 = %broadcast_in_dim3A_304, %scan3A_527 = %broadcast_in_dim3A_304, %scan3A_528 = %broadcast_in_dim3A_304, %scan3A_529 = %broadcast_in_dim3A_304, %scan3A_530 = %broadcast_in_dim3A_304, %scan3A_531 = %broadcast_in_dim3A_304, %scan3A_532 = %broadcast_in_dim3A_304) -> (vector<16xf32>, vector<16xf32>, vector<16xf32>, vector<16xf32>, vector<16xf32>, vector<16xf32>, vector<16xf32>, vector<16xf32>)  : i32 {
        %mul3A_533 = arith.constant 2 : i32
        %mul3A_534 = arith.muli %mul3A_533, %scan3A_524 : i32
        %add3A_535 = arith.constant 0 : i32
        %add3A_536 = arith.addi %add3A_535, %mul3A_534 : i32
        %add3A_537 = arith.constant 0 : i32
        %add3A_538 = arith.addi %add3A_536, %add3A_537 : i32
        %get3A = arith.constant 2 : i32
        %get3A_539 = arith.index_cast %get3A : i32 to index
        %get3A_540 = arith.index_cast %add3A_538 : i32 to index
        %get3A_541 = arith.constant 0 : index
        %get3A_542 = tpu.vector_load %arg6[%get3A_539, %get3A_540, %get3A_541] {strides = array<i32>} : memref<4x100x64xf32, #tpu.memory_space<vmem>>, vector<1x1x16xf32>,
        %get3A_543 = vector.shape_cast %get3A_542 : vector<1x1x16xf32> to vector<16xf32>
        %add3A_544 = arith.addf %scan3A_525, %get3A_543 : vector<16xf32>
        %add3A_545 = arith.constant 0 : i32
        %add3A_546 = arith.addi %add3A_545, %mul3A_534 : i32
        %add3A_547 = arith.constant 0 : i32
        %add3A_548 = arith.addi %add3A_546, %add3A_547 : i32
        %get3A_549 = arith.constant 2 : i32
        %get3A_550 = arith.index_cast %get3A_549 : i32 to index
        %get3A_551 = arith.index_cast %add3A_548 : i32 to index
        %get3A_552 = arith.constant 16 : index
        %get3A_553 = tpu.vector_load %arg6[%get3A_550, %get3A_551, %get3A_552] {strides = array<i32>} : memref<4x100x64xf32, #tpu.memory_space<vmem>>, vector<1x1x16xf32>,
        %get3A_554 = vector.shape_cast %get3A_553 : vector<1x1x16xf32> to vector<16xf32>
        %add3A_555 = arith.addf %scan3A_526, %get3A_554 : vector<16xf32>
        %add3A_556 = arith.constant 0 : i32
        %add3A_557 = arith.addi %add3A_556, %mul3A_534 : i32
        %add3A_558 = arith.constant 0 : i32
        %add3A_559 = arith.addi %add3A_557, %add3A_558 : i32
        %get3A_560 = arith.constant 2 : i32
        %get3A_561 = arith.index_cast %get3A_560 : i32 to index
        %get3A_562 = arith.index_cast %add3A_559 : i32 to index
        %get3A_563 = arith.constant 32 : index
        %get3A_564 = tpu.vector_load %arg6[%get3A_561, %get3A_562, %get3A_563] {strides = array<i32>} : memref<4x100x64xf32, #tpu.memory_space<vmem>>, vector<1x1x16xf32>,
        %get3A_565 = vector.shape_cast %get3A_564 : vector<1x1x16xf32> to vector<16xf32>
        %add3A_566 = arith.addf %scan3A_527, %get3A_565 : vector<16xf32>
        %add3A_567 = arith.constant 0 : i32
        %add3A_568 = arith.addi %add3A_567, %mul3A_534 : i32
        %add3A_569 = arith.constant 0 : i32
        %add3A_570 = arith.addi %add3A_568, %add3A_569 : i32
        %get3A_571 = arith.constant 2 : i32
        %get3A_572 = arith.index_cast %get3A_571 : i32 to index
        %get3A_573 = arith.index_cast %add3A_570 : i32 to index
        %get3A_574 = arith.constant 48 : index
        %get3A_575 = tpu.vector_load %arg6[%get3A_572, %get3A_573, %get3A_574] {strides = array<i32>} : memref<4x100x64xf32, #tpu.memory_space<vmem>>, vector<1x1x16xf32>,
        %get3A_576 = vector.shape_cast %get3A_575 : vector<1x1x16xf32> to vector<16xf32>
        %add3A_577 = arith.addf %scan3A_528, %get3A_576 : vector<16xf32>
        %add3A_578 = arith.constant 0 : i32
        %add3A_579 = arith.addi %add3A_578, %mul3A_534 : i32
        %add3A_580 = arith.constant 1 : i32
        %add3A_581 = arith.addi %add3A_579, %add3A_580 : i32
        %get3A_582 = arith.constant 2 : i32
        %get3A_583 = arith.index_cast %get3A_582 : i32 to index
        %get3A_584 = arith.index_cast %add3A_581 : i32 to index
        %get3A_585 = arith.constant 0 : index
        %get3A_586 = tpu.vector_load %arg6[%get3A_583, %get3A_584, %get3A_585] {strides = array<i32>} : memref<4x100x64xf32, #tpu.memory_space<vmem>>, vector<1x1x16xf32>,
        %get3A_587 = vector.shape_cast %get3A_586 : vector<1x1x16xf32> to vector<16xf32>
        %add3A_588 = arith.addf %scan3A_529, %get3A_587 : vector<16xf32>
        %add3A_589 = arith.constant 0 : i32
        %add3A_590 = arith.addi %add3A_589, %mul3A_534 : i32
        %add3A_591 = arith.constant 1 : i32
        %add3A_592 = arith.addi %add3A_590, %add3A_591 : i32
        %get3A_593 = arith.constant 2 : i32
        %get3A_594 = arith.index_cast %get3A_593 : i32 to index
        %get3A_595 = arith.index_cast %add3A_592 : i32 to index
        %get3A_596 = arith.constant 16 : index
        %get3A_597 = tpu.vector_load %arg6[%get3A_594, %get3A_595, %get3A_596] {strides = array<i32>} : memref<4x100x64xf32, #tpu.memory_space<vmem>>, vector<1x1x16xf32>,
        %get3A_598 = vector.shape_cast %get3A_597 : vector<1x1x16xf32> to vector<16xf32>
        %add3A_599 = arith.addf %scan3A_530, %get3A_598 : vector<16xf32>
        %add3A_600 = arith.constant 0 : i32
        %add3A_601 = arith.addi %add3A_600, %mul3A_534 : i32
        %add3A_602 = arith.constant 1 : i32
        %add3A_603 = arith.addi %add3A_601, %add3A_602 : i32
        %get3A_604 = arith.constant 2 : i32
        %get3A_605 = arith.index_cast %get3A_604 : i32 to index
        %get3A_606 = arith.index_cast %add3A_603 : i32 to index
        %get3A_607 = arith.constant 32 : index
        %get3A_608 = tpu.vector_load %arg6[%get3A_605, %get3A_606, %get3A_607] {strides = array<i32>} : memref<4x100x64xf32, #tpu.memory_space<vmem>>, vector<1x1x16xf32>,
        %get3A_609 = vector.shape_cast %get3A_608 : vector<1x1x16xf32> to vector<16xf32>
        %add3A_610 = arith.addf %scan3A_531, %get3A_609 : vector<16xf32>
        %add3A_611 = arith.constant 0 : i32
        %add3A_612 = arith.addi %add3A_611, %mul3A_534 : i32
        %add3A_613 = arith.constant 1 : i32
        %add3A_614 = arith.addi %add3A_612, %add3A_613 : i32
        %get3A_615 = arith.constant 2 : i32
        %get3A_616 = arith.index_cast %get3A_615 : i32 to index
        %get3A_617 = arith.index_cast %add3A_614 : i32 to index
        %get3A_618 = arith.constant 48 : index
        %get3A_619 = tpu.vector_load %arg6[%get3A_616, %get3A_617, %get3A_618] {strides = array<i32>} : memref<4x100x64xf32, #tpu.memory_space<vmem>>, vector<1x1x16xf32>,
        %get3A_620 = vector.shape_cast %get3A_619 : vector<1x1x16xf32> to vector<16xf32>
        %add3A_621 = arith.addf %scan3A_532, %get3A_620 : vector<16xf32>
        scf.yield %add3A_544, %add3A_555, %add3A_566, %add3A_577, %add3A_588, %add3A_599, %add3A_610, %add3A_621 : vector<16xf32>, vector<16xf32>, vector<16xf32>, vector<16xf32>, vector<16xf32>, vector<16xf32>, vector<16xf32>, vector<16xf32>
      }
      %scan3A_310 = arith.constant 25 : i32
      %mul3A_311 = arith.constant 2 : i32
      %mul3A_312 = arith.muli %mul3A_311, %add3A_291 : i32
      %add3A_313 = arith.constant 0 : i32
      %add3A_314 = arith.addi %mul3A_312, %add3A_313 : i32
      %add3A_315 = arith.addf %scan3A_309#0, %scan3A_309#4 : vector<16xf32>
      %mul3A_316 = arith.constant 2.000000e-02 : f32
      %mul3A_317 = vector.broadcast %mul3A_316 : f32 to vector<16xf32>
      %mul3A_318 = arith.mulf %add3A_315, %mul3A_317 : vector<16xf32>
      %swap3A_319 = arith.index_cast %add3A_314 : i32 to index
      %swap3A_320 = arith.constant 0 : index
      %swap3A_321 = tpu.vector_load %arg7[%swap3A_319, %swap3A_320] {strides = array<i32>} : memref<128x64xf32, #tpu.memory_space<vmem>>, vector<1x16xf32>,
      %swap3A_322 = vector.shape_cast %swap3A_321 : vector<1x16xf32> to vector<16xf32>
      %swap3A_323 = vector.shape_cast %mul3A_318 : vector<16xf32> to vector<1x16xf32>
      tpu.vector_store %arg7[%swap3A_319, %swap3A_320], %swap3A_323 {strides = array<i32>} : memref<128x64xf32, #tpu.memory_space<vmem>>, vector<1x16xf32>,
      %add3A_324 = arith.addf %scan3A_309#1, %scan3A_309#5 : vector<16xf32>
      %mul3A_325 = arith.constant 2.000000e-02 : f32
      %mul3A_326 = vector.broadcast %mul3A_325 : f32 to vector<16xf32>
      %mul3A_327 = arith.mulf %add3A_324, %mul3A_326 : vector<16xf32>
      %swap3A_328 = arith.index_cast %add3A_314 : i32 to index
      %swap3A_329 = arith.constant 16 : index
      %swap3A_330 = tpu.vector_load %arg7[%swap3A_328, %swap3A_329] {strides = array<i32>} : memref<128x64xf32, #tpu.memory_space<vmem>>, vector<1x16xf32>,
      %swap3A_331 = vector.shape_cast %swap3A_330 : vector<1x16xf32> to vector<16xf32>
      %swap3A_332 = vector.shape_cast %mul3A_327 : vector<16xf32> to vector<1x16xf32>
      tpu.vector_store %arg7[%swap3A_328, %swap3A_329], %swap3A_332 {strides = array<i32>} : memref<128x64xf32, #tpu.memory_space<vmem>>, vector<1x16xf32>,
      %add3A_333 = arith.addf %scan3A_309#2, %scan3A_309#6 : vector<16xf32>
      %mul3A_334 = arith.constant 2.000000e-02 : f32
      %mul3A_335 = vector.broadcast %mul3A_334 : f32 to vector<16xf32>
      %mul3A_336 = arith.mulf %add3A_333, %mul3A_335 : vector<16xf32>
      %swap3A_337 = arith.index_cast %add3A_314 : i32 to index
      %swap3A_338 = arith.constant 32 : index
      %swap3A_339 = tpu.vector_load %arg7[%swap3A_337, %swap3A_338] {strides = array<i32>} : memref<128x64xf32, #tpu.memory_space<vmem>>, vector<1x16xf32>,
      %swap3A_340 = vector.shape_cast %swap3A_339 : vector<1x16xf32> to vector<16xf32>
      %swap3A_341 = vector.shape_cast %mul3A_336 : vector<16xf32> to vector<1x16xf32>
      tpu.vector_store %arg7[%swap3A_337, %swap3A_338], %swap3A_341 {strides = array<i32>} : memref<128x64xf32, #tpu.memory_space<vmem>>, vector<1x16xf32>,
      %add3A_342 = arith.addf %scan3A_309#3, %scan3A_309#7 : vector<16xf32>
      %mul3A_343 = arith.constant 2.000000e-02 : f32
      %mul3A_344 = vector.broadcast %mul3A_343 : f32 to vector<16xf32>
      %mul3A_345 = arith.mulf %add3A_342, %mul3A_344 : vector<16xf32>
      %swap3A_346 = arith.index_cast %add3A_314 : i32 to index
      %swap3A_347 = arith.constant 48 : index
      %swap3A_348 = tpu.vector_load %arg7[%swap3A_346, %swap3A_347] {strides = array<i32>} : memref<128x64xf32, #tpu.memory_space<vmem>>, vector<1x16xf32>,
      %swap3A_349 = vector.shape_cast %swap3A_348 : vector<1x16xf32> to vector<16xf32>
      %swap3A_350 = vector.shape_cast %mul3A_345 : vector<16xf32> to vector<1x16xf32>
      tpu.vector_store %arg7[%swap3A_346, %swap3A_347], %swap3A_350 {strides = array<i32>} : memref<128x64xf32, #tpu.memory_space<vmem>>, vector<1x16xf32>,
      %broadcast_in_dim3A_351 = arith.constant 0.000000e+00 : f32
      %broadcast_in_dim3A_352 = vector.broadcast %broadcast_in_dim3A_351 : f32 to vector<16xf32>
      %scan3A_353 = arith.constant 0 : i32
      %scan3A_354 = arith.constant 25 : i32
      %scan3A_355 = arith.addi %scan3A_353, %scan3A_354 : i32
      %scan3A_356 = arith.constant 1 : i32
      %scan3A_357:8 = scf.for %scan3A_524 = %scan3A_353 to %scan3A_355 step %scan3A_356 iter_args(%scan3A_525 = %broadcast_in_dim3A_352, %scan3A_526 = %broadcast_in_dim3A_352, %scan3A_527 = %broadcast_in_dim3A_352, %scan3A_528 = %broadcast_in_dim3A_352, %scan3A_529 = %broadcast_in_dim3A_352, %scan3A_530 = %broadcast_in_dim3A_352, %scan3A_531 = %broadcast_in_dim3A_352, %scan3A_532 = %broadcast_in_dim3A_352) -> (vector<16xf32>, vector<16xf32>, vector<16xf32>, vector<16xf32>, vector<16xf32>, vector<16xf32>, vector<16xf32>, vector<16xf32>)  : i32 {
        %mul3A_533 = arith.constant 2 : i32
        %mul3A_534 = arith.muli %mul3A_533, %scan3A_524 : i32
        %add3A_535 = arith.constant 50 : i32
        %add3A_536 = arith.addi %add3A_535, %mul3A_534 : i32
        %add3A_537 = arith.constant 0 : i32
        %add3A_538 = arith.addi %add3A_536, %add3A_537 : i32
        %get3A = arith.constant 2 : i32
        %get3A_539 = arith.index_cast %get3A : i32 to index
        %get3A_540 = arith.index_cast %add3A_538 : i32 to index
        %get3A_541 = arith.constant 0 : index
        %get3A_542 = tpu.vector_load %arg6[%get3A_539, %get3A_540, %get3A_541] {strides = array<i32>} : memref<4x100x64xf32, #tpu.memory_space<vmem>>, vector<1x1x16xf32>,
        %get3A_543 = vector.shape_cast %get3A_542 : vector<1x1x16xf32> to vector<16xf32>
        %add3A_544 = arith.addf %scan3A_525, %get3A_543 : vector<16xf32>
        %add3A_545 = arith.constant 50 : i32
        %add3A_546 = arith.addi %add3A_545, %mul3A_534 : i32
        %add3A_547 = arith.constant 0 : i32
        %add3A_548 = arith.addi %add3A_546, %add3A_547 : i32
        %get3A_549 = arith.constant 2 : i32
        %get3A_550 = arith.index_cast %get3A_549 : i32 to index
        %get3A_551 = arith.index_cast %add3A_548 : i32 to index
        %get3A_552 = arith.constant 16 : index
        %get3A_553 = tpu.vector_load %arg6[%get3A_550, %get3A_551, %get3A_552] {strides = array<i32>} : memref<4x100x64xf32, #tpu.memory_space<vmem>>, vector<1x1x16xf32>,
        %get3A_554 = vector.shape_cast %get3A_553 : vector<1x1x16xf32> to vector<16xf32>
        %add3A_555 = arith.addf %scan3A_526, %get3A_554 : vector<16xf32>
        %add3A_556 = arith.constant 50 : i32
        %add3A_557 = arith.addi %add3A_556, %mul3A_534 : i32
        %add3A_558 = arith.constant 0 : i32
        %add3A_559 = arith.addi %add3A_557, %add3A_558 : i32
        %get3A_560 = arith.constant 2 : i32
        %get3A_561 = arith.index_cast %get3A_560 : i32 to index
        %get3A_562 = arith.index_cast %add3A_559 : i32 to index
        %get3A_563 = arith.constant 32 : index
        %get3A_564 = tpu.vector_load %arg6[%get3A_561, %get3A_562, %get3A_563] {strides = array<i32>} : memref<4x100x64xf32, #tpu.memory_space<vmem>>, vector<1x1x16xf32>,
        %get3A_565 = vector.shape_cast %get3A_564 : vector<1x1x16xf32> to vector<16xf32>
        %add3A_566 = arith.addf %scan3A_527, %get3A_565 : vector<16xf32>
        %add3A_567 = arith.constant 50 : i32
        %add3A_568 = arith.addi %add3A_567, %mul3A_534 : i32
        %add3A_569 = arith.constant 0 : i32
        %add3A_570 = arith.addi %add3A_568, %add3A_569 : i32
        %get3A_571 = arith.constant 2 : i32
        %get3A_572 = arith.index_cast %get3A_571 : i32 to index
        %get3A_573 = arith.index_cast %add3A_570 : i32 to index
        %get3A_574 = arith.constant 48 : index
        %get3A_575 = tpu.vector_load %arg6[%get3A_572, %get3A_573, %get3A_574] {strides = array<i32>} : memref<4x100x64xf32, #tpu.memory_space<vmem>>, vector<1x1x16xf32>,
        %get3A_576 = vector.shape_cast %get3A_575 : vector<1x1x16xf32> to vector<16xf32>
        %add3A_577 = arith.addf %scan3A_528, %get3A_576 : vector<16xf32>
        %add3A_578 = arith.constant 50 : i32
        %add3A_579 = arith.addi %add3A_578, %mul3A_534 : i32
        %add3A_580 = arith.constant 1 : i32
        %add3A_581 = arith.addi %add3A_579, %add3A_580 : i32
        %get3A_582 = arith.constant 2 : i32
        %get3A_583 = arith.index_cast %get3A_582 : i32 to index
        %get3A_584 = arith.index_cast %add3A_581 : i32 to index
        %get3A_585 = arith.constant 0 : index
        %get3A_586 = tpu.vector_load %arg6[%get3A_583, %get3A_584, %get3A_585] {strides = array<i32>} : memref<4x100x64xf32, #tpu.memory_space<vmem>>, vector<1x1x16xf32>,
        %get3A_587 = vector.shape_cast %get3A_586 : vector<1x1x16xf32> to vector<16xf32>
        %add3A_588 = arith.addf %scan3A_529, %get3A_587 : vector<16xf32>
        %add3A_589 = arith.constant 50 : i32
        %add3A_590 = arith.addi %add3A_589, %mul3A_534 : i32
        %add3A_591 = arith.constant 1 : i32
        %add3A_592 = arith.addi %add3A_590, %add3A_591 : i32
        %get3A_593 = arith.constant 2 : i32
        %get3A_594 = arith.index_cast %get3A_593 : i32 to index
        %get3A_595 = arith.index_cast %add3A_592 : i32 to index
        %get3A_596 = arith.constant 16 : index
        %get3A_597 = tpu.vector_load %arg6[%get3A_594, %get3A_595, %get3A_596] {strides = array<i32>} : memref<4x100x64xf32, #tpu.memory_space<vmem>>, vector<1x1x16xf32>,
        %get3A_598 = vector.shape_cast %get3A_597 : vector<1x1x16xf32> to vector<16xf32>
        %add3A_599 = arith.addf %scan3A_530, %get3A_598 : vector<16xf32>
        %add3A_600 = arith.constant 50 : i32
        %add3A_601 = arith.addi %add3A_600, %mul3A_534 : i32
        %add3A_602 = arith.constant 1 : i32
        %add3A_603 = arith.addi %add3A_601, %add3A_602 : i32
        %get3A_604 = arith.constant 2 : i32
        %get3A_605 = arith.index_cast %get3A_604 : i32 to index
        %get3A_606 = arith.index_cast %add3A_603 : i32 to index
        %get3A_607 = arith.constant 32 : index
        %get3A_608 = tpu.vector_load %arg6[%get3A_605, %get3A_606, %get3A_607] {strides = array<i32>} : memref<4x100x64xf32, #tpu.memory_space<vmem>>, vector<1x1x16xf32>,
        %get3A_609 = vector.shape_cast %get3A_608 : vector<1x1x16xf32> to vector<16xf32>
        %add3A_610 = arith.addf %scan3A_531, %get3A_609 : vector<16xf32>
        %add3A_611 = arith.constant 50 : i32
        %add3A_612 = arith.addi %add3A_611, %mul3A_534 : i32
        %add3A_613 = arith.constant 1 : i32
        %add3A_614 = arith.addi %add3A_612, %add3A_613 : i32
        %get3A_615 = arith.constant 2 : i32
        %get3A_616 = arith.index_cast %get3A_615 : i32 to index
        %get3A_617 = arith.index_cast %add3A_614 : i32 to index
        %get3A_618 = arith.constant 48 : index
        %get3A_619 = tpu.vector_load %arg6[%get3A_616, %get3A_617, %get3A_618] {strides = array<i32>} : memref<4x100x64xf32, #tpu.memory_space<vmem>>, vector<1x1x16xf32>,
        %get3A_620 = vector.shape_cast %get3A_619 : vector<1x1x16xf32> to vector<16xf32>
        %add3A_621 = arith.addf %scan3A_532, %get3A_620 : vector<16xf32>
        scf.yield %add3A_544, %add3A_555, %add3A_566, %add3A_577, %add3A_588, %add3A_599, %add3A_610, %add3A_621 : vector<16xf32>, vector<16xf32>, vector<16xf32>, vector<16xf32>, vector<16xf32>, vector<16xf32>, vector<16xf32>, vector<16xf32>
      }
      %scan3A_358 = arith.constant 25 : i32
      %mul3A_359 = arith.constant 2 : i32
      %mul3A_360 = arith.muli %mul3A_359, %add3A_291 : i32
      %add3A_361 = arith.constant 1 : i32
      %add3A_362 = arith.addi %mul3A_360, %add3A_361 : i32
      %add3A_363 = arith.addf %scan3A_357#0, %scan3A_357#4 : vector<16xf32>
      %mul3A_364 = arith.constant 2.000000e-02 : f32
      %mul3A_365 = vector.broadcast %mul3A_364 : f32 to vector<16xf32>
      %mul3A_366 = arith.mulf %add3A_363, %mul3A_365 : vector<16xf32>
      %swap3A_367 = arith.index_cast %add3A_362 : i32 to index
      %swap3A_368 = arith.constant 0 : index
      %swap3A_369 = tpu.vector_load %arg7[%swap3A_367, %swap3A_368] {strides = array<i32>} : memref<128x64xf32, #tpu.memory_space<vmem>>, vector<1x16xf32>,
      %swap3A_370 = vector.shape_cast %swap3A_369 : vector<1x16xf32> to vector<16xf32>
      %swap3A_371 = vector.shape_cast %mul3A_366 : vector<16xf32> to vector<1x16xf32>
      tpu.vector_store %arg7[%swap3A_367, %swap3A_368], %swap3A_371 {strides = array<i32>} : memref<128x64xf32, #tpu.memory_space<vmem>>, vector<1x16xf32>,
      %add3A_372 = arith.addf %scan3A_357#1, %scan3A_357#5 : vector<16xf32>
      %mul3A_373 = arith.constant 2.000000e-02 : f32
      %mul3A_374 = vector.broadcast %mul3A_373 : f32 to vector<16xf32>
      %mul3A_375 = arith.mulf %add3A_372, %mul3A_374 : vector<16xf32>
      %swap3A_376 = arith.index_cast %add3A_362 : i32 to index
      %swap3A_377 = arith.constant 16 : index
      %swap3A_378 = tpu.vector_load %arg7[%swap3A_376, %swap3A_377] {strides = array<i32>} : memref<128x64xf32, #tpu.memory_space<vmem>>, vector<1x16xf32>,
      %swap3A_379 = vector.shape_cast %swap3A_378 : vector<1x16xf32> to vector<16xf32>
      %swap3A_380 = vector.shape_cast %mul3A_375 : vector<16xf32> to vector<1x16xf32>
      tpu.vector_store %arg7[%swap3A_376, %swap3A_377], %swap3A_380 {strides = array<i32>} : memref<128x64xf32, #tpu.memory_space<vmem>>, vector<1x16xf32>,
      %add3A_381 = arith.addf %scan3A_357#2, %scan3A_357#6 : vector<16xf32>
      %mul3A_382 = arith.constant 2.000000e-02 : f32
      %mul3A_383 = vector.broadcast %mul3A_382 : f32 to vector<16xf32>
      %mul3A_384 = arith.mulf %add3A_381, %mul3A_383 : vector<16xf32>
      %swap3A_385 = arith.index_cast %add3A_362 : i32 to index
      %swap3A_386 = arith.constant 32 : index
      %swap3A_387 = tpu.vector_load %arg7[%swap3A_385, %swap3A_386] {strides = array<i32>} : memref<128x64xf32, #tpu.memory_space<vmem>>, vector<1x16xf32>,
      %swap3A_388 = vector.shape_cast %swap3A_387 : vector<1x16xf32> to vector<16xf32>
      %swap3A_389 = vector.shape_cast %mul3A_384 : vector<16xf32> to vector<1x16xf32>
      tpu.vector_store %arg7[%swap3A_385, %swap3A_386], %swap3A_389 {strides = array<i32>} : memref<128x64xf32, #tpu.memory_space<vmem>>, vector<1x16xf32>,
      %add3A_390 = arith.addf %scan3A_357#3, %scan3A_357#7 : vector<16xf32>
      %mul3A_391 = arith.constant 2.000000e-02 : f32
      %mul3A_392 = vector.broadcast %mul3A_391 : f32 to vector<16xf32>
      %mul3A_393 = arith.mulf %add3A_390, %mul3A_392 : vector<16xf32>
      %swap3A_394 = arith.index_cast %add3A_362 : i32 to index
      %swap3A_395 = arith.constant 48 : index
      %swap3A_396 = tpu.vector_load %arg7[%swap3A_394, %swap3A_395] {strides = array<i32>} : memref<128x64xf32, #tpu.memory_space<vmem>>, vector<1x16xf32>,
      %swap3A_397 = vector.shape_cast %swap3A_396 : vector<1x16xf32> to vector<16xf32>
      %swap3A_398 = vector.shape_cast %mul3A_393 : vector<16xf32> to vector<1x16xf32>
      tpu.vector_store %arg7[%swap3A_394, %swap3A_395], %swap3A_398 {strides = array<i32>} : memref<128x64xf32, #tpu.memory_space<vmem>>, vector<1x16xf32>,
      %add3A_399 = arith.constant 4 : i32
      %add3A_400 = arith.addi %add3A_291, %add3A_399 : i32
      %lt3A_401 = arith.constant 64 : i32
      %lt3A_402 = arith.cmpi slt, %add3A_400, %lt3A_401 : i32
      %convert_element_type3A_403 = arith.extui %lt3A_402 : i1 to i32
      %cond3A_404 = arith.constant 0 : i32
      %cond3A_405 = arith.cmpi ne, %convert_element_type3A_403, %cond3A_404 : i32
      scf.if %cond3A_405 {
        %add3A_524 = arith.constant 4 : i32
        %add3A_525 = arith.addi %add3A_291, %add3A_524 : i32
        %dma_start3A_526 = arith.constant 2 : i32
        %dma_start3A_527 = arith.constant 0 : i32
        %dma_start3A_528 = arith.constant 0 : i32
        %dma_start3A_529 = tpu.memref_slice %arg6[%dma_start3A_526, %dma_start3A_527, %dma_start3A_528] : memref<4x100x64xf32, #tpu.memory_space<vmem>> -> memref<1x100x64xf32, #tpu.memory_space<vmem>>
        %dma_start3A_530 = tpu.memref_squeeze %dma_start3A_529 : memref<1x100x64xf32, #tpu.memory_space<vmem>> -> memref<100x64xf32, #tpu.memory_space<vmem>>
        %dma_start3A_531 = arith.constant 0 : i32
        %dma_start3A_532 = tpu.memref_slice %arg5[%add3A_525, %dma_start3A_531] : memref<64x100xi32, #tpu.memory_space<vmem>> -> memref<1x100xi32, #tpu.memory_space<vmem>>
        %dma_start3A_533 = tpu.memref_squeeze %dma_start3A_532 : memref<1x100xi32, #tpu.memory_space<vmem>> -> memref<100xi32, #tpu.memory_space<vmem>>
        %dma_start3A_534 = arith.constant 0 : i32
        %dma_start3A_535 = arith.constant 0 : i32
        %dma_start3A_536 = tpu.memref_slice %arg3[%dma_start3A_534, %dma_start3A_535] : memref<100000x64xf32, #tpu.memory_space<hbm>> -> memref<100000x64xf32, #tpu.memory_space<hbm>>
        tpu.enqueue_indirect_dma source(%dma_start3A_536 : memref<100000x64xf32, #tpu.memory_space<hbm>>) target(%dma_start3A_530 : memref<100x64xf32, #tpu.memory_space<vmem>>) offsets(%dma_start3A_533 : memref<100xi32, #tpu.memory_space<vmem>>) semaphore(%arg10 : memref<!tpu.dma_semaphore, #tpu.memory_space<semaphore_mem>>)
      } else {
      }
      %mul3A_406 = arith.constant 4 : i32
      %mul3A_407 = arith.muli %scan3A_57, %mul3A_406 : i32
      %add3A_408 = arith.constant 3 : i32
      %add3A_409 = arith.addi %mul3A_407, %add3A_408 : i32
      %dma_wait3A_410 = arith.constant 3 : i32
      %dma_wait3A_411 = arith.constant 0 : i32
      %dma_wait3A_412 = arith.constant 0 : i32
      %dma_wait3A_413 = tpu.memref_slice %arg6[%dma_wait3A_410, %dma_wait3A_411, %dma_wait3A_412] : memref<4x100x64xf32, #tpu.memory_space<vmem>> -> memref<1x100x64xf32, #tpu.memory_space<vmem>>
      %dma_wait3A_414 = tpu.memref_squeeze %dma_wait3A_413 : memref<1x100x64xf32, #tpu.memory_space<vmem>> -> memref<100x64xf32, #tpu.memory_space<vmem>>
      %dma_wait3A_415 = arith.constant 0 : i32
      %dma_wait3A_416 = tpu.memref_slice %arg5[%add3A_409, %dma_wait3A_415] : memref<64x100xi32, #tpu.memory_space<vmem>> -> memref<1x100xi32, #tpu.memory_space<vmem>>
      %dma_wait3A_417 = tpu.memref_squeeze %dma_wait3A_416 : memref<1x100xi32, #tpu.memory_space<vmem>> -> memref<100xi32, #tpu.memory_space<vmem>>
      %dma_wait3A_418 = arith.constant 0 : i32
      %dma_wait3A_419 = arith.constant 0 : i32
      %dma_wait3A_420 = tpu.memref_slice %arg3[%dma_wait3A_418, %dma_wait3A_419] : memref<100000x64xf32, #tpu.memory_space<hbm>> -> memref<100000x64xf32, #tpu.memory_space<hbm>>
      tpu.wait_indirect_dma semaphore(%arg11 : memref<!tpu.dma_semaphore, #tpu.memory_space<semaphore_mem>>) src(%dma_wait3A_420 : memref<100000x64xf32, #tpu.memory_space<hbm>>) dst(%dma_wait3A_414 : memref<100x64xf32, #tpu.memory_space<vmem>>)
      %broadcast_in_dim3A_421 = arith.constant 0.000000e+00 : f32
      %broadcast_in_dim3A_422 = vector.broadcast %broadcast_in_dim3A_421 : f32 to vector<16xf32>
      %scan3A_423 = arith.constant 0 : i32
      %scan3A_424 = arith.constant 25 : i32
      %scan3A_425 = arith.addi %scan3A_423, %scan3A_424 : i32
      %scan3A_426 = arith.constant 1 : i32
      %scan3A_427:8 = scf.for %scan3A_524 = %scan3A_423 to %scan3A_425 step %scan3A_426 iter_args(%scan3A_525 = %broadcast_in_dim3A_422, %scan3A_526 = %broadcast_in_dim3A_422, %scan3A_527 = %broadcast_in_dim3A_422, %scan3A_528 = %broadcast_in_dim3A_422, %scan3A_529 = %broadcast_in_dim3A_422, %scan3A_530 = %broadcast_in_dim3A_422, %scan3A_531 = %broadcast_in_dim3A_422, %scan3A_532 = %broadcast_in_dim3A_422) -> (vector<16xf32>, vector<16xf32>, vector<16xf32>, vector<16xf32>, vector<16xf32>, vector<16xf32>, vector<16xf32>, vector<16xf32>)  : i32 {
        %mul3A_533 = arith.constant 2 : i32
        %mul3A_534 = arith.muli %mul3A_533, %scan3A_524 : i32
        %add3A_535 = arith.constant 0 : i32
        %add3A_536 = arith.addi %add3A_535, %mul3A_534 : i32
        %add3A_537 = arith.constant 0 : i32
        %add3A_538 = arith.addi %add3A_536, %add3A_537 : i32
        %get3A = arith.constant 3 : i32
        %get3A_539 = arith.index_cast %get3A : i32 to index
        %get3A_540 = arith.index_cast %add3A_538 : i32 to index
        %get3A_541 = arith.constant 0 : index
        %get3A_542 = tpu.vector_load %arg6[%get3A_539, %get3A_540, %get3A_541] {strides = array<i32>} : memref<4x100x64xf32, #tpu.memory_space<vmem>>, vector<1x1x16xf32>,
        %get3A_543 = vector.shape_cast %get3A_542 : vector<1x1x16xf32> to vector<16xf32>
        %add3A_544 = arith.addf %scan3A_525, %get3A_543 : vector<16xf32>
        %add3A_545 = arith.constant 0 : i32
        %add3A_546 = arith.addi %add3A_545, %mul3A_534 : i32
        %add3A_547 = arith.constant 0 : i32
        %add3A_548 = arith.addi %add3A_546, %add3A_547 : i32
        %get3A_549 = arith.constant 3 : i32
        %get3A_550 = arith.index_cast %get3A_549 : i32 to index
        %get3A_551 = arith.index_cast %add3A_548 : i32 to index
        %get3A_552 = arith.constant 16 : index
        %get3A_553 = tpu.vector_load %arg6[%get3A_550, %get3A_551, %get3A_552] {strides = array<i32>} : memref<4x100x64xf32, #tpu.memory_space<vmem>>, vector<1x1x16xf32>,
        %get3A_554 = vector.shape_cast %get3A_553 : vector<1x1x16xf32> to vector<16xf32>
        %add3A_555 = arith.addf %scan3A_526, %get3A_554 : vector<16xf32>
        %add3A_556 = arith.constant 0 : i32
        %add3A_557 = arith.addi %add3A_556, %mul3A_534 : i32
        %add3A_558 = arith.constant 0 : i32
        %add3A_559 = arith.addi %add3A_557, %add3A_558 : i32
        %get3A_560 = arith.constant 3 : i32
        %get3A_561 = arith.index_cast %get3A_560 : i32 to index
        %get3A_562 = arith.index_cast %add3A_559 : i32 to index
        %get3A_563 = arith.constant 32 : index
        %get3A_564 = tpu.vector_load %arg6[%get3A_561, %get3A_562, %get3A_563] {strides = array<i32>} : memref<4x100x64xf32, #tpu.memory_space<vmem>>, vector<1x1x16xf32>,
        %get3A_565 = vector.shape_cast %get3A_564 : vector<1x1x16xf32> to vector<16xf32>
        %add3A_566 = arith.addf %scan3A_527, %get3A_565 : vector<16xf32>
        %add3A_567 = arith.constant 0 : i32
        %add3A_568 = arith.addi %add3A_567, %mul3A_534 : i32
        %add3A_569 = arith.constant 0 : i32
        %add3A_570 = arith.addi %add3A_568, %add3A_569 : i32
        %get3A_571 = arith.constant 3 : i32
        %get3A_572 = arith.index_cast %get3A_571 : i32 to index
        %get3A_573 = arith.index_cast %add3A_570 : i32 to index
        %get3A_574 = arith.constant 48 : index
        %get3A_575 = tpu.vector_load %arg6[%get3A_572, %get3A_573, %get3A_574] {strides = array<i32>} : memref<4x100x64xf32, #tpu.memory_space<vmem>>, vector<1x1x16xf32>,
        %get3A_576 = vector.shape_cast %get3A_575 : vector<1x1x16xf32> to vector<16xf32>
        %add3A_577 = arith.addf %scan3A_528, %get3A_576 : vector<16xf32>
        %add3A_578 = arith.constant 0 : i32
        %add3A_579 = arith.addi %add3A_578, %mul3A_534 : i32
        %add3A_580 = arith.constant 1 : i32
        %add3A_581 = arith.addi %add3A_579, %add3A_580 : i32
        %get3A_582 = arith.constant 3 : i32
        %get3A_583 = arith.index_cast %get3A_582 : i32 to index
        %get3A_584 = arith.index_cast %add3A_581 : i32 to index
        %get3A_585 = arith.constant 0 : index
        %get3A_586 = tpu.vector_load %arg6[%get3A_583, %get3A_584, %get3A_585] {strides = array<i32>} : memref<4x100x64xf32, #tpu.memory_space<vmem>>, vector<1x1x16xf32>,
        %get3A_587 = vector.shape_cast %get3A_586 : vector<1x1x16xf32> to vector<16xf32>
        %add3A_588 = arith.addf %scan3A_529, %get3A_587 : vector<16xf32>
        %add3A_589 = arith.constant 0 : i32
        %add3A_590 = arith.addi %add3A_589, %mul3A_534 : i32
        %add3A_591 = arith.constant 1 : i32
        %add3A_592 = arith.addi %add3A_590, %add3A_591 : i32
        %get3A_593 = arith.constant 3 : i32
        %get3A_594 = arith.index_cast %get3A_593 : i32 to index
        %get3A_595 = arith.index_cast %add3A_592 : i32 to index
        %get3A_596 = arith.constant 16 : index
        %get3A_597 = tpu.vector_load %arg6[%get3A_594, %get3A_595, %get3A_596] {strides = array<i32>} : memref<4x100x64xf32, #tpu.memory_space<vmem>>, vector<1x1x16xf32>,
        %get3A_598 = vector.shape_cast %get3A_597 : vector<1x1x16xf32> to vector<16xf32>
        %add3A_599 = arith.addf %scan3A_530, %get3A_598 : vector<16xf32>
        %add3A_600 = arith.constant 0 : i32
        %add3A_601 = arith.addi %add3A_600, %mul3A_534 : i32
        %add3A_602 = arith.constant 1 : i32
        %add3A_603 = arith.addi %add3A_601, %add3A_602 : i32
        %get3A_604 = arith.constant 3 : i32
        %get3A_605 = arith.index_cast %get3A_604 : i32 to index
        %get3A_606 = arith.index_cast %add3A_603 : i32 to index
        %get3A_607 = arith.constant 32 : index
        %get3A_608 = tpu.vector_load %arg6[%get3A_605, %get3A_606, %get3A_607] {strides = array<i32>} : memref<4x100x64xf32, #tpu.memory_space<vmem>>, vector<1x1x16xf32>,
        %get3A_609 = vector.shape_cast %get3A_608 : vector<1x1x16xf32> to vector<16xf32>
        %add3A_610 = arith.addf %scan3A_531, %get3A_609 : vector<16xf32>
        %add3A_611 = arith.constant 0 : i32
        %add3A_612 = arith.addi %add3A_611, %mul3A_534 : i32
        %add3A_613 = arith.constant 1 : i32
        %add3A_614 = arith.addi %add3A_612, %add3A_613 : i32
        %get3A_615 = arith.constant 3 : i32
        %get3A_616 = arith.index_cast %get3A_615 : i32 to index
        %get3A_617 = arith.index_cast %add3A_614 : i32 to index
        %get3A_618 = arith.constant 48 : index
        %get3A_619 = tpu.vector_load %arg6[%get3A_616, %get3A_617, %get3A_618] {strides = array<i32>} : memref<4x100x64xf32, #tpu.memory_space<vmem>>, vector<1x1x16xf32>,
        %get3A_620 = vector.shape_cast %get3A_619 : vector<1x1x16xf32> to vector<16xf32>
        %add3A_621 = arith.addf %scan3A_532, %get3A_620 : vector<16xf32>
        scf.yield %add3A_544, %add3A_555, %add3A_566, %add3A_577, %add3A_588, %add3A_599, %add3A_610, %add3A_621 : vector<16xf32>, vector<16xf32>, vector<16xf32>, vector<16xf32>, vector<16xf32>, vector<16xf32>, vector<16xf32>, vector<16xf32>
      }
      %scan3A_428 = arith.constant 25 : i32
      %mul3A_429 = arith.constant 2 : i32
      %mul3A_430 = arith.muli %mul3A_429, %add3A_409 : i32
      %add3A_431 = arith.constant 0 : i32
      %add3A_432 = arith.addi %mul3A_430, %add3A_431 : i32
      %add3A_433 = arith.addf %scan3A_427#0, %scan3A_427#4 : vector<16xf32>
      %mul3A_434 = arith.constant 2.000000e-02 : f32
      %mul3A_435 = vector.broadcast %mul3A_434 : f32 to vector<16xf32>
      %mul3A_436 = arith.mulf %add3A_433, %mul3A_435 : vector<16xf32>
      %swap3A_437 = arith.index_cast %add3A_432 : i32 to index
      %swap3A_438 = arith.constant 0 : index
      %swap3A_439 = tpu.vector_load %arg7[%swap3A_437, %swap3A_438] {strides = array<i32>} : memref<128x64xf32, #tpu.memory_space<vmem>>, vector<1x16xf32>,
      %swap3A_440 = vector.shape_cast %swap3A_439 : vector<1x16xf32> to vector<16xf32>
      %swap3A_441 = vector.shape_cast %mul3A_436 : vector<16xf32> to vector<1x16xf32>
      tpu.vector_store %arg7[%swap3A_437, %swap3A_438], %swap3A_441 {strides = array<i32>} : memref<128x64xf32, #tpu.memory_space<vmem>>, vector<1x16xf32>,
      %add3A_442 = arith.addf %scan3A_427#1, %scan3A_427#5 : vector<16xf32>
      %mul3A_443 = arith.constant 2.000000e-02 : f32
      %mul3A_444 = vector.broadcast %mul3A_443 : f32 to vector<16xf32>
      %mul3A_445 = arith.mulf %add3A_442, %mul3A_444 : vector<16xf32>
      %swap3A_446 = arith.index_cast %add3A_432 : i32 to index
      %swap3A_447 = arith.constant 16 : index
      %swap3A_448 = tpu.vector_load %arg7[%swap3A_446, %swap3A_447] {strides = array<i32>} : memref<128x64xf32, #tpu.memory_space<vmem>>, vector<1x16xf32>,
      %swap3A_449 = vector.shape_cast %swap3A_448 : vector<1x16xf32> to vector<16xf32>
      %swap3A_450 = vector.shape_cast %mul3A_445 : vector<16xf32> to vector<1x16xf32>
      tpu.vector_store %arg7[%swap3A_446, %swap3A_447], %swap3A_450 {strides = array<i32>} : memref<128x64xf32, #tpu.memory_space<vmem>>, vector<1x16xf32>,
      %add3A_451 = arith.addf %scan3A_427#2, %scan3A_427#6 : vector<16xf32>
      %mul3A_452 = arith.constant 2.000000e-02 : f32
      %mul3A_453 = vector.broadcast %mul3A_452 : f32 to vector<16xf32>
      %mul3A_454 = arith.mulf %add3A_451, %mul3A_453 : vector<16xf32>
      %swap3A_455 = arith.index_cast %add3A_432 : i32 to index
      %swap3A_456 = arith.constant 32 : index
      %swap3A_457 = tpu.vector_load %arg7[%swap3A_455, %swap3A_456] {strides = array<i32>} : memref<128x64xf32, #tpu.memory_space<vmem>>, vector<1x16xf32>,
      %swap3A_458 = vector.shape_cast %swap3A_457 : vector<1x16xf32> to vector<16xf32>
      %swap3A_459 = vector.shape_cast %mul3A_454 : vector<16xf32> to vector<1x16xf32>
      tpu.vector_store %arg7[%swap3A_455, %swap3A_456], %swap3A_459 {strides = array<i32>} : memref<128x64xf32, #tpu.memory_space<vmem>>, vector<1x16xf32>,
      %add3A_460 = arith.addf %scan3A_427#3, %scan3A_427#7 : vector<16xf32>
      %mul3A_461 = arith.constant 2.000000e-02 : f32
      %mul3A_462 = vector.broadcast %mul3A_461 : f32 to vector<16xf32>
      %mul3A_463 = arith.mulf %add3A_460, %mul3A_462 : vector<16xf32>
      %swap3A_464 = arith.index_cast %add3A_432 : i32 to index
      %swap3A_465 = arith.constant 48 : index
      %swap3A_466 = tpu.vector_load %arg7[%swap3A_464, %swap3A_465] {strides = array<i32>} : memref<128x64xf32, #tpu.memory_space<vmem>>, vector<1x16xf32>,
      %swap3A_467 = vector.shape_cast %swap3A_466 : vector<1x16xf32> to vector<16xf32>
      %swap3A_468 = vector.shape_cast %mul3A_463 : vector<16xf32> to vector<1x16xf32>
      tpu.vector_store %arg7[%swap3A_464, %swap3A_465], %swap3A_468 {strides = array<i32>} : memref<128x64xf32, #tpu.memory_space<vmem>>, vector<1x16xf32>,
      %broadcast_in_dim3A_469 = arith.constant 0.000000e+00 : f32
      %broadcast_in_dim3A_470 = vector.broadcast %broadcast_in_dim3A_469 : f32 to vector<16xf32>
      %scan3A_471 = arith.constant 0 : i32
      %scan3A_472 = arith.constant 25 : i32
      %scan3A_473 = arith.addi %scan3A_471, %scan3A_472 : i32
      %scan3A_474 = arith.constant 1 : i32
      %scan3A_475:8 = scf.for %scan3A_524 = %scan3A_471 to %scan3A_473 step %scan3A_474 iter_args(%scan3A_525 = %broadcast_in_dim3A_470, %scan3A_526 = %broadcast_in_dim3A_470, %scan3A_527 = %broadcast_in_dim3A_470, %scan3A_528 = %broadcast_in_dim3A_470, %scan3A_529 = %broadcast_in_dim3A_470, %scan3A_530 = %broadcast_in_dim3A_470, %scan3A_531 = %broadcast_in_dim3A_470, %scan3A_532 = %broadcast_in_dim3A_470) -> (vector<16xf32>, vector<16xf32>, vector<16xf32>, vector<16xf32>, vector<16xf32>, vector<16xf32>, vector<16xf32>, vector<16xf32>)  : i32 {
        %mul3A_533 = arith.constant 2 : i32
        %mul3A_534 = arith.muli %mul3A_533, %scan3A_524 : i32
        %add3A_535 = arith.constant 50 : i32
        %add3A_536 = arith.addi %add3A_535, %mul3A_534 : i32
        %add3A_537 = arith.constant 0 : i32
        %add3A_538 = arith.addi %add3A_536, %add3A_537 : i32
        %get3A = arith.constant 3 : i32
        %get3A_539 = arith.index_cast %get3A : i32 to index
        %get3A_540 = arith.index_cast %add3A_538 : i32 to index
        %get3A_541 = arith.constant 0 : index
        %get3A_542 = tpu.vector_load %arg6[%get3A_539, %get3A_540, %get3A_541] {strides = array<i32>} : memref<4x100x64xf32, #tpu.memory_space<vmem>>, vector<1x1x16xf32>,
        %get3A_543 = vector.shape_cast %get3A_542 : vector<1x1x16xf32> to vector<16xf32>
        %add3A_544 = arith.addf %scan3A_525, %get3A_543 : vector<16xf32>
        %add3A_545 = arith.constant 50 : i32
        %add3A_546 = arith.addi %add3A_545, %mul3A_534 : i32
        %add3A_547 = arith.constant 0 : i32
        %add3A_548 = arith.addi %add3A_546, %add3A_547 : i32
        %get3A_549 = arith.constant 3 : i32
        %get3A_550 = arith.index_cast %get3A_549 : i32 to index
        %get3A_551 = arith.index_cast %add3A_548 : i32 to index
        %get3A_552 = arith.constant 16 : index
        %get3A_553 = tpu.vector_load %arg6[%get3A_550, %get3A_551, %get3A_552] {strides = array<i32>} : memref<4x100x64xf32, #tpu.memory_space<vmem>>, vector<1x1x16xf32>,
        %get3A_554 = vector.shape_cast %get3A_553 : vector<1x1x16xf32> to vector<16xf32>
        %add3A_555 = arith.addf %scan3A_526, %get3A_554 : vector<16xf32>
        %add3A_556 = arith.constant 50 : i32
        %add3A_557 = arith.addi %add3A_556, %mul3A_534 : i32
        %add3A_558 = arith.constant 0 : i32
        %add3A_559 = arith.addi %add3A_557, %add3A_558 : i32
        %get3A_560 = arith.constant 3 : i32
        %get3A_561 = arith.index_cast %get3A_560 : i32 to index
        %get3A_562 = arith.index_cast %add3A_559 : i32 to index
        %get3A_563 = arith.constant 32 : index
        %get3A_564 = tpu.vector_load %arg6[%get3A_561, %get3A_562, %get3A_563] {strides = array<i32>} : memref<4x100x64xf32, #tpu.memory_space<vmem>>, vector<1x1x16xf32>,
        %get3A_565 = vector.shape_cast %get3A_564 : vector<1x1x16xf32> to vector<16xf32>
        %add3A_566 = arith.addf %scan3A_527, %get3A_565 : vector<16xf32>
        %add3A_567 = arith.constant 50 : i32
        %add3A_568 = arith.addi %add3A_567, %mul3A_534 : i32
        %add3A_569 = arith.constant 0 : i32
        %add3A_570 = arith.addi %add3A_568, %add3A_569 : i32
        %get3A_571 = arith.constant 3 : i32
        %get3A_572 = arith.index_cast %get3A_571 : i32 to index
        %get3A_573 = arith.index_cast %add3A_570 : i32 to index
        %get3A_574 = arith.constant 48 : index
        %get3A_575 = tpu.vector_load %arg6[%get3A_572, %get3A_573, %get3A_574] {strides = array<i32>} : memref<4x100x64xf32, #tpu.memory_space<vmem>>, vector<1x1x16xf32>,
        %get3A_576 = vector.shape_cast %get3A_575 : vector<1x1x16xf32> to vector<16xf32>
        %add3A_577 = arith.addf %scan3A_528, %get3A_576 : vector<16xf32>
        %add3A_578 = arith.constant 50 : i32
        %add3A_579 = arith.addi %add3A_578, %mul3A_534 : i32
        %add3A_580 = arith.constant 1 : i32
        %add3A_581 = arith.addi %add3A_579, %add3A_580 : i32
        %get3A_582 = arith.constant 3 : i32
        %get3A_583 = arith.index_cast %get3A_582 : i32 to index
        %get3A_584 = arith.index_cast %add3A_581 : i32 to index
        %get3A_585 = arith.constant 0 : index
        %get3A_586 = tpu.vector_load %arg6[%get3A_583, %get3A_584, %get3A_585] {strides = array<i32>} : memref<4x100x64xf32, #tpu.memory_space<vmem>>, vector<1x1x16xf32>,
        %get3A_587 = vector.shape_cast %get3A_586 : vector<1x1x16xf32> to vector<16xf32>
        %add3A_588 = arith.addf %scan3A_529, %get3A_587 : vector<16xf32>
        %add3A_589 = arith.constant 50 : i32
        %add3A_590 = arith.addi %add3A_589, %mul3A_534 : i32
        %add3A_591 = arith.constant 1 : i32
        %add3A_592 = arith.addi %add3A_590, %add3A_591 : i32
        %get3A_593 = arith.constant 3 : i32
        %get3A_594 = arith.index_cast %get3A_593 : i32 to index
        %get3A_595 = arith.index_cast %add3A_592 : i32 to index
        %get3A_596 = arith.constant 16 : index
        %get3A_597 = tpu.vector_load %arg6[%get3A_594, %get3A_595, %get3A_596] {strides = array<i32>} : memref<4x100x64xf32, #tpu.memory_space<vmem>>, vector<1x1x16xf32>,
        %get3A_598 = vector.shape_cast %get3A_597 : vector<1x1x16xf32> to vector<16xf32>
        %add3A_599 = arith.addf %scan3A_530, %get3A_598 : vector<16xf32>
        %add3A_600 = arith.constant 50 : i32
        %add3A_601 = arith.addi %add3A_600, %mul3A_534 : i32
        %add3A_602 = arith.constant 1 : i32
        %add3A_603 = arith.addi %add3A_601, %add3A_602 : i32
        %get3A_604 = arith.constant 3 : i32
        %get3A_605 = arith.index_cast %get3A_604 : i32 to index
        %get3A_606 = arith.index_cast %add3A_603 : i32 to index
        %get3A_607 = arith.constant 32 : index
        %get3A_608 = tpu.vector_load %arg6[%get3A_605, %get3A_606, %get3A_607] {strides = array<i32>} : memref<4x100x64xf32, #tpu.memory_space<vmem>>, vector<1x1x16xf32>,
        %get3A_609 = vector.shape_cast %get3A_608 : vector<1x1x16xf32> to vector<16xf32>
        %add3A_610 = arith.addf %scan3A_531, %get3A_609 : vector<16xf32>
        %add3A_611 = arith.constant 50 : i32
        %add3A_612 = arith.addi %add3A_611, %mul3A_534 : i32
        %add3A_613 = arith.constant 1 : i32
        %add3A_614 = arith.addi %add3A_612, %add3A_613 : i32
        %get3A_615 = arith.constant 3 : i32
        %get3A_616 = arith.index_cast %get3A_615 : i32 to index
        %get3A_617 = arith.index_cast %add3A_614 : i32 to index
        %get3A_618 = arith.constant 48 : index
        %get3A_619 = tpu.vector_load %arg6[%get3A_616, %get3A_617, %get3A_618] {strides = array<i32>} : memref<4x100x64xf32, #tpu.memory_space<vmem>>, vector<1x1x16xf32>,
        %get3A_620 = vector.shape_cast %get3A_619 : vector<1x1x16xf32> to vector<16xf32>
        %add3A_621 = arith.addf %scan3A_532, %get3A_620 : vector<16xf32>
        scf.yield %add3A_544, %add3A_555, %add3A_566, %add3A_577, %add3A_588, %add3A_599, %add3A_610, %add3A_621 : vector<16xf32>, vector<16xf32>, vector<16xf32>, vector<16xf32>, vector<16xf32>, vector<16xf32>, vector<16xf32>, vector<16xf32>
      }
      %scan3A_476 = arith.constant 25 : i32
      %mul3A_477 = arith.constant 2 : i32
      %mul3A_478 = arith.muli %mul3A_477, %add3A_409 : i32
      %add3A_479 = arith.constant 1 : i32
      %add3A_480 = arith.addi %mul3A_478, %add3A_479 : i32
      %add3A_481 = arith.addf %scan3A_475#0, %scan3A_475#4 : vector<16xf32>
      %mul3A_482 = arith.constant 2.000000e-02 : f32
      %mul3A_483 = vector.broadcast %mul3A_482 : f32 to vector<16xf32>
      %mul3A_484 = arith.mulf %add3A_481, %mul3A_483 : vector<16xf32>
      %swap3A_485 = arith.index_cast %add3A_480 : i32 to index
      %swap3A_486 = arith.constant 0 : index
      %swap3A_487 = tpu.vector_load %arg7[%swap3A_485, %swap3A_486] {strides = array<i32>} : memref<128x64xf32, #tpu.memory_space<vmem>>, vector<1x16xf32>,
      %swap3A_488 = vector.shape_cast %swap3A_487 : vector<1x16xf32> to vector<16xf32>
      %swap3A_489 = vector.shape_cast %mul3A_484 : vector<16xf32> to vector<1x16xf32>
      tpu.vector_store %arg7[%swap3A_485, %swap3A_486], %swap3A_489 {strides = array<i32>} : memref<128x64xf32, #tpu.memory_space<vmem>>, vector<1x16xf32>,
      %add3A_490 = arith.addf %scan3A_475#1, %scan3A_475#5 : vector<16xf32>
      %mul3A_491 = arith.constant 2.000000e-02 : f32
      %mul3A_492 = vector.broadcast %mul3A_491 : f32 to vector<16xf32>
      %mul3A_493 = arith.mulf %add3A_490, %mul3A_492 : vector<16xf32>
      %swap3A_494 = arith.index_cast %add3A_480 : i32 to index
      %swap3A_495 = arith.constant 16 : index
      %swap3A_496 = tpu.vector_load %arg7[%swap3A_494, %swap3A_495] {strides = array<i32>} : memref<128x64xf32, #tpu.memory_space<vmem>>, vector<1x16xf32>,
      %swap3A_497 = vector.shape_cast %swap3A_496 : vector<1x16xf32> to vector<16xf32>
      %swap3A_498 = vector.shape_cast %mul3A_493 : vector<16xf32> to vector<1x16xf32>
      tpu.vector_store %arg7[%swap3A_494, %swap3A_495], %swap3A_498 {strides = array<i32>} : memref<128x64xf32, #tpu.memory_space<vmem>>, vector<1x16xf32>,
      %add3A_499 = arith.addf %scan3A_475#2, %scan3A_475#6 : vector<16xf32>
      %mul3A_500 = arith.constant 2.000000e-02 : f32
      %mul3A_501 = vector.broadcast %mul3A_500 : f32 to vector<16xf32>
      %mul3A_502 = arith.mulf %add3A_499, %mul3A_501 : vector<16xf32>
      %swap3A_503 = arith.index_cast %add3A_480 : i32 to index
      %swap3A_504 = arith.constant 32 : index
      %swap3A_505 = tpu.vector_load %arg7[%swap3A_503, %swap3A_504] {strides = array<i32>} : memref<128x64xf32, #tpu.memory_space<vmem>>, vector<1x16xf32>,
      %swap3A_506 = vector.shape_cast %swap3A_505 : vector<1x16xf32> to vector<16xf32>
      %swap3A_507 = vector.shape_cast %mul3A_502 : vector<16xf32> to vector<1x16xf32>
      tpu.vector_store %arg7[%swap3A_503, %swap3A_504], %swap3A_507 {strides = array<i32>} : memref<128x64xf32, #tpu.memory_space<vmem>>, vector<1x16xf32>,
      %add3A_508 = arith.addf %scan3A_475#3, %scan3A_475#7 : vector<16xf32>
      %mul3A_509 = arith.constant 2.000000e-02 : f32
      %mul3A_510 = vector.broadcast %mul3A_509 : f32 to vector<16xf32>
      %mul3A_511 = arith.mulf %add3A_508, %mul3A_510 : vector<16xf32>
      %swap3A_512 = arith.index_cast %add3A_480 : i32 to index
      %swap3A_513 = arith.constant 48 : index
      %swap3A_514 = tpu.vector_load %arg7[%swap3A_512, %swap3A_513] {strides = array<i32>} : memref<128x64xf32, #tpu.memory_space<vmem>>, vector<1x16xf32>,
      %swap3A_515 = vector.shape_cast %swap3A_514 : vector<1x16xf32> to vector<16xf32>
      %swap3A_516 = vector.shape_cast %mul3A_511 : vector<16xf32> to vector<1x16xf32>
      tpu.vector_store %arg7[%swap3A_512, %swap3A_513], %swap3A_516 {strides = array<i32>} : memref<128x64xf32, #tpu.memory_space<vmem>>, vector<1x16xf32>,
      %add3A_517 = arith.constant 4 : i32
      %add3A_518 = arith.addi %add3A_409, %add3A_517 : i32
      %lt3A_519 = arith.constant 64 : i32
      %lt3A_520 = arith.cmpi slt, %add3A_518, %lt3A_519 : i32
      %convert_element_type3A_521 = arith.extui %lt3A_520 : i1 to i32
      %cond3A_522 = arith.constant 0 : i32
      %cond3A_523 = arith.cmpi ne, %convert_element_type3A_521, %cond3A_522 : i32
      scf.if %cond3A_523 {
        %add3A_524 = arith.constant 4 : i32
        %add3A_525 = arith.addi %add3A_409, %add3A_524 : i32
        %dma_start3A_526 = arith.constant 3 : i32
        %dma_start3A_527 = arith.constant 0 : i32
        %dma_start3A_528 = arith.constant 0 : i32
        %dma_start3A_529 = tpu.memref_slice %arg6[%dma_start3A_526, %dma_start3A_527, %dma_start3A_528] : memref<4x100x64xf32, #tpu.memory_space<vmem>> -> memref<1x100x64xf32, #tpu.memory_space<vmem>>
        %dma_start3A_530 = tpu.memref_squeeze %dma_start3A_529 : memref<1x100x64xf32, #tpu.memory_space<vmem>> -> memref<100x64xf32, #tpu.memory_space<vmem>>
        %dma_start3A_531 = arith.constant 0 : i32
        %dma_start3A_532 = tpu.memref_slice %arg5[%add3A_525, %dma_start3A_531] : memref<64x100xi32, #tpu.memory_space<vmem>> -> memref<1x100xi32, #tpu.memory_space<vmem>>
        %dma_start3A_533 = tpu.memref_squeeze %dma_start3A_532 : memref<1x100xi32, #tpu.memory_space<vmem>> -> memref<100xi32, #tpu.memory_space<vmem>>
        %dma_start3A_534 = arith.constant 0 : i32
        %dma_start3A_535 = arith.constant 0 : i32
        %dma_start3A_536 = tpu.memref_slice %arg3[%dma_start3A_534, %dma_start3A_535] : memref<100000x64xf32, #tpu.memory_space<hbm>> -> memref<100000x64xf32, #tpu.memory_space<hbm>>
        tpu.enqueue_indirect_dma source(%dma_start3A_536 : memref<100000x64xf32, #tpu.memory_space<hbm>>) target(%dma_start3A_530 : memref<100x64xf32, #tpu.memory_space<vmem>>) offsets(%dma_start3A_533 : memref<100xi32, #tpu.memory_space<vmem>>) semaphore(%arg11 : memref<!tpu.dma_semaphore, #tpu.memory_space<semaphore_mem>>)
      } else {
      }
    }
    %scan3A_54 = arith.constant 16 : i32
    %mul3A_55 = arith.constant 128 : i32
    %mul3A_56 = arith.muli %add3A, %mul3A_55 : i32
    "tpu.region"() ({
      %run_scoped3A = tpu.sem_alloc : memref<!tpu.dma_semaphore, #tpu.memory_space<semaphore_mem>>
      %dma_start3A_57 = arith.constant 0 : i32
      %dma_start3A_58 = tpu.memref_slice %arg4[%mul3A_56, %dma_start3A_57] : memref<4096x64xf32, #tpu.memory_space<hbm>> -> memref<128x64xf32, #tpu.memory_space<hbm>>
      %dma_start3A_59 = arith.constant 0 : i32
      %dma_start3A_60 = tpu.memref_slice %arg4[%mul3A_56, %dma_start3A_59] : memref<4096x64xf32, #tpu.memory_space<hbm>> -> memref<128x64xf32, #tpu.memory_space<hbm>>
      tpu.enqueue_dma source(%arg7 : memref<128x64xf32, #tpu.memory_space<vmem>>) target(%dma_start3A_60 : memref<128x64xf32, #tpu.memory_space<hbm>>) target_semaphore(%run_scoped3A : memref<!tpu.dma_semaphore, #tpu.memory_space<semaphore_mem>>)
      %dma_wait3A = arith.constant 0 : i32
      %dma_wait3A_61 = tpu.memref_slice %arg4[%mul3A_56, %dma_wait3A] : memref<4096x64xf32, #tpu.memory_space<hbm>> -> memref<128x64xf32, #tpu.memory_space<hbm>>
      %dma_wait3A_62 = arith.constant 0 : i32
      %dma_wait3A_63 = tpu.memref_slice %arg4[%mul3A_56, %dma_wait3A_62] : memref<4096x64xf32, #tpu.memory_space<hbm>> -> memref<128x64xf32, #tpu.memory_space<hbm>>
      tpu.wait_dma2 semaphore(%run_scoped3A : memref<!tpu.dma_semaphore, #tpu.memory_space<semaphore_mem>>) src(%arg7 : memref<128x64xf32, #tpu.memory_space<vmem>>) dst(%dma_wait3A_63 : memref<128x64xf32, #tpu.memory_space<hbm>>)
      tpu.yield
    }) : () -> ()
    return
  }
}

</mosaic_0001>

<sc_bundles>
// kernel: _emb_mean.3.cloned.1.call-start
scs
__scs_entry_jumppad:
0x0: {  	(pc) =	sbr.rel $0x88, $3  }
0x1: {  	(tag) =	ssettag $0x0;
	lr =	simm.s32 $0x1  }
0x2: {  	[smem:$0x3F9F] =	sst lr;
	_ =	strace $0xD0000000  }
0x3: {  	_ = 	snop  }
0x4: {  	_ = 	snop  }
0x5: {  	_ = 	snop  }
0x6: {  	_ = 	snop  }
0x7: {  	_ = 	snop  }
__scs_overlays_trampoline_lowered:
0x8: {  	[smem:$0x3FAE] =	sst s0  }
0x9: {  	[smem:$0x3FAF] =	sst s1  }
0xa: {  	[smem:$0x3FB0] =	sst s2  }
0xb: {  	[smem:$0x3FB1] =	sst s3  }
0xc: {  	[smem:$0x3FB2] =	sst s4  }
0xd: {  	[smem:$0x3FB3] =	sst s5  }
0xe: {  	[smem:$0x3FB4] =	sst s6  }
0xf: {  	[smem:$0x3FB5] =	sst s7  }
0x10: {  	[smem:$0x3FB6] =	sst s8  }
0x11: {  	[smem:$0x3FB7] =	sst s9;
	s0 =	simm.s32 @!p0 $0x0  }
0x12: {  	s1 =	sld [smem:$0x3F9D];
	s0 =	simm.s32 @p0 $0x1  }
0x13: {  	[smem:$0x3FB8] =	sst s0;
	s0 =	simm.s32 @!p1 $0x0  }
0x14: {  	s2 =	sld [smem:$0x3F9C];
	s0 =	simm.s32 @p1 $0x1  }
0x15: {  	[smem:$0x3FB9] =	sst s0;
	s0 =	simm.s32 @!p2 $0x0  }
0x16: {  	s3 =	sld [smem:$0x3FDB];
	s0 =	simm.s32 @p2 $0x1  }
0x17: {  	s4 =	simm.s32 $0x1BF5;
	[smem:$0x3FBB] =	sst s0  }
0x18: {  	s0 =	sld [smem:$0x3F9E];
	_ =	swait.ge [sflag:s4], $0x0  }
0x19: {  	s7 =	sld [smem:$0x3F9F]  }
0x1a: {  	s8 =	sadd.s32 $0xFFFFE003, lr  }
0x1b: {  	s9 =	sadd.s32 $0xFFFFFEF7, lr;
	s5 =	simm.s32 $0xFFFFFFFF;
	p2 =	slt.u32 s8, $0xFFFFF086  }
0x1c: {  	p1 =	slt.u32 s9, $0xF7A;
	s5 =	simm.s32 @!p2 $0x0  }
0x1d: {  	s5 =	simm.s32 @p1 $0x1;
	p0 =	seq.s32 s7, s2  }
0x1e: {  	s7 =	smul.u32 @!p0 $0xF7A, s2;
	p2 =	seq.s32 @!p0 s5, $0x0  }
0x1f: {  	s9 =	smul.u32 $0xF7A, s1;
	s8 =	simm.s32 @!p0 $0x1BF5;
	p2 =	por !p2, p0  }
0x20: {  	[sflag:s8] =	ssyncset.s32 @!p0 $0xFFFFF086;
	s6 =	sadd.s32 @!p0 s3, s7;
	s7 =	simm.s32 @!p0 $0x108  }
0x21: {  	s3 =	sadd.s32 s3, s9;
	s6 =	sadd.s32 @!p0 $0x88, s6;
	s7 =	simm.s32 @p2 $0x1082  }
0x22: {  	[simem:s7], [sflag:s8] =	dma.local @!p0 [hbm:s6], $0xF7A  }
0x23: {  	s9 =	sor.u32 $0xD0000000, s2;
	s6 =	simm.s32 $0x108;
	_ =	swait.ge @!p0 [sflag:s8], $0x0  }
0x24: {  	s3 =	sadd.s32 $0x88, s3;
	s6 =	simm.s32 @!p1 $0x1082;
	[sflag:s4] =	ssyncset.s32 $0xFFFFF086  }
0x25: {  	[simem:s6], [sflag:s4] =	dma.local [hbm:s3], $0xF7A  }
0x26: {  	[smem:$0x3F9F] =	sst s1;
	(tag) =	ssettag s2;
	_ =	strace s9  }
0x27: {  	s1 =	sld [smem:$0x3FAF]  }
0x28: {  	s2 =	sld [smem:$0x3FB0]  }
0x29: {  	s4 =	sld [smem:$0x3FB2]  }
0x2a: {  	p0 =	seq.s32 s5, $0x0;
	s5 =	sld [smem:$0x3FB3]  }
0x2b: {  	s6 =	sld [smem:$0x3FB4]  }
0x2c: {  	s7 =	sld [smem:$0x3FB5]  }
0x2d: {  	s3 =	simm.s32 $0x108;
	s8 =	sld [smem:$0x3FB6]  }
0x2e: {  	s3 =	simm.s32 @!p0 $0x1082;
	s9 =	sld [smem:$0x3FB7]  }
0x2f: {  	lr =	sadd.s32 s0, s3;
	s0 =	sld [smem:$0x3FAE]  }
0x30: {  	s3 =	sld [smem:$0x3FB1]  }
0x31: {  	[smem:$0x3FBA] =	sst s10  }
0x32: {  	s10 =	sld [smem:$0x3FB8];
	_ =	sdelay $0x3  }
0x33: {  	p0 =	seq.s32 s10, $0x1;
	s10 =	sld [smem:$0x3FBA];
	_ =	sdelay $0x3  }
0x34: {  	[smem:$0x3FBA] =	sst s10  }
0x35: {  	s10 =	sld [smem:$0x3FB9];
	_ =	sdelay $0x3  }
0x36: {  	p1 =	seq.s32 s10, $0x1;
	s10 =	sld [smem:$0x3FBA];
	_ =	sdelay $0x3  }
0x37: {  	[smem:$0x3FBA] =	sst s10  }
0x38: {  	s10 =	sld [smem:$0x3FBB]  }
0x39: {  	_ = 	snop;
	(pc) =	sbr.ind lr, $3  }
0x3a: {  	_ = 	snop  }
0x3b: {  	_ = 	snop  }
0x3c: {  	p2 =	seq.s32 s10, $0x1;
	s10 =	sld [smem:$0x3FBA]  }
0x3d: {  	_ =	shalt  }
0x3e: {  	_ =	shalt  }
0x3f: {  	_ =	shalt  }
0x40: {  	_ =	shalt  }
0x41: {  	_ =	shalt  }
0x42: {  	_ =	shalt  }
0x43: {  	_ =	shalt  }
0x44: {  	_ =	shalt  }
0x45: {  	_ =	shalt  }
0x46: {  	_ =	shalt  }
0x47: {  	_ =	shalt  }
0x48: {  	_ =	shalt  }
0x49: {  	_ =	shalt  }
0x4a: {  	_ =	shalt  }
0x4b: {  	_ =	shalt  }
0x4c: {  	_ =	shalt  }
0x4d: {  	_ =	shalt  }
0x4e: {  	_ =	shalt  }
0x4f: {  	_ =	shalt  }
0x50: {  	_ =	shalt  }
0x51: {  	_ =	shalt  }
0x52: {  	_ =	shalt  }
0x53: {  	_ =	shalt  }
0x54: {  	_ =	shalt  }
0x55: {  	_ =	shalt  }
0x56: {  	_ =	shalt  }
0x57: {  	_ =	shalt  }
0x58: {  	_ =	shalt  }
0x59: {  	_ =	shalt  }
0x5a: {  	_ =	shalt  }
0x5b: {  	_ =	shalt  }
0x5c: {  	_ =	shalt  }
0x5d: {  	_ =	shalt  }
0x5e: {  	_ =	shalt  }
0x5f: {  	_ =	shalt  }
0x60: {  	_ =	shalt  }
0x61: {  	_ =	shalt  }
0x62: {  	_ =	shalt  }
0x63: {  	_ =	shalt  }
0x64: {  	_ =	shalt  }
0x65: {  	_ =	shalt  }
0x66: {  	_ =	shalt  }
0x67: {  	_ =	shalt  }
0x68: {  	_ =	shalt  }
0x69: {  	_ =	shalt  }
0x6a: {  	_ =	shalt  }
0x6b: {  	_ =	shalt  }
0x6c: {  	_ =	shalt  }
0x6d: {  	_ =	shalt  }
0x6e: {  	_ =	shalt  }
0x6f: {  	_ =	shalt  }
0x70: {  	_ =	shalt  }
0x71: {  	_ =	shalt  }
0x72: {  	_ =	shalt  }
0x73: {  	_ =	shalt  }
0x74: {  	_ =	shalt  }
0x75: {  	_ =	shalt  }
0x76: {  	_ =	shalt  }
0x77: {  	_ =	shalt  }
0x78: {  	_ =	shalt  }
0x79: {  	_ =	shalt  }
0x7a: {  	_ =	shalt  }
0x7b: {  	_ =	shalt  }
0x7c: {  	_ =	shalt  }
0x7d: {  	_ =	shalt  }
0x7e: {  	_ =	shalt  }
0x7f: {  	_ =	shalt  }
0x80: {  	_ =	shalt  }
0x81: {  	_ =	shalt  }
0x82: {  	_ =	shalt  }
0x83: {  	_ =	shalt  }
0x84: {  	_ =	shalt  }
0x85: {  	_ =	shalt  }
0x86: {  	_ =	shalt  }
0x87: {  	_ =	shalt  }
.Lfunc_end0:
.L_simem_size_0:
called_computation_lowered:
.L_overlay_start_0:
0x88: {  	s2 =	sld [smem:$0x3FD9]  }
0x89: {  	s3 =	sld [smem:$0x3FFE];
	_ =	sdelay $0x1  }
0x8a: {  	s1 =	srdreg.scid  }
0x8b: {  	s0 =	sand.u32 $0x1, s1  }
0x8c: {  	s17 =	sshll.u32 s0, $0xA;
	s2 =	sadd.s32 s3, s2  }
0x8d: {  	s2 =	sadd.s32 s2, s17  }
0x8e: {  	[smem:$0x3FC6] =	sst s2  }
0x8f: {  	_ = 	snop  }
0x90: {  	s2 =	sld [smem:$0x3FD0];
	(tm) =	ssettm $0x1  }
0x91: {  	s18 =	sld [smem:$0x3FFB];
	_ =	sdelay $0x3  }
0x92: {  	_ =	strace s18  }
0x93: {  	s3 =	sld [smem:$0x3FFC];
	_ =	sdelay $0x3  }
0x94: {  	_ =	strace s3  }
0x95: {  	s3 =	sld [smem:$0x3FFD];
	_ =	sdelay $0x3  }
0x96: {  	_ =	strace s3  }
0x97: {  	_ =	strace $0x8FFFFFFF  }
0x98: {  	s19 =	sld [smem:$0x3FDB];
	_ =	sdelay $0x1  }
0x99: {  	s4 =	simm.s32 $_scs_section_size  }
0x9a: {  	s5 =	simm.s32 $_size__tile_overlayer_lowered;
	s6 =	simm.s32 $_tile_overlayer_lowered  }
0x9b: {  	s22 =	simm.s32 $0x1BFF;
	s21 =	sshll.u32 s6, $0x1;
	s3 =	sadd.s32 s4, s19  }
0x9c: {  	s7 =	simm.s32 $0x0;
	s20 =	sshll.u32 s5, $0x1;
	s5 =	sadd.s32 s21, s3  }
0x9d: {  	[timem:s7], [sflag:s22] =	dma.local [hbm:s5], s20  }
0x9e: {  	_ =	swait.ge [sflag:s22], s20  }
0x9f: {  	s4 =	ssub.s32 $0x0, s20;
	[sflag:s22] =	ssyncset.done $0x0  }
0xa0: {  	[sflag:s22] =	ssyncadd.s32 s4;
	_ =	sdelay $0x1  }
0xa1: {  	s23 =	simm.s32 $0x1B8B  }
0xa2: {  	_ =	swait.ge [sflag:s23], $0x1  }
0xa3: {  	[sflag:s23] =	ssyncset.done $0x0  }
0xa4: {  	s25 =	simm.s32 $0x1B8E;
	s24 =	sld [smem:$0x3FFE];
	[sflag:s23] =	ssyncadd.s32 $0xFFFFFFFF  }
0xa5: {  	s26 =	simm.s32 $execute0_lowered;
	[smem:$0x3FD2] =	sst s25  }
0xa6: {  	s5 =	sshll.u32 s26, $0x1;
	_ =	strace $0x80000046;
	[dreg:$0x1] =	wrdreg $0xFFFFFFFF  }
0xa7: {  	s28 =	simm.s32 $_size_execute0_lowered;
	s3 =	sadd.s32 s3, s5;
	[dreg:$0x0] =	wrdreg $0x0  }
0xa8: {  	s5 =	sshll.u32 s28, $0x1;
	[dreg:$0x2] =	wrdreg s3  }
0xa9: {  	[dreg:$0x3] =	wrdreg s5  }
0xaa: {  	[dreg:$0x4] =	wrdreg $0xC0  }
0xab: {  	_ =	task [dreg:s7], $0x5FFFF  }
0xac: {  	[dreg:$0x1] =	wrdreg $0xFFFFFFFF  }
0xad: {  	[dreg:$0x0] =	wrdreg $0x60  }
0xae: {  	[dreg:$0x2] =	wrdreg s24  }
0xaf: {  	[dreg:$0x3] =	wrdreg s2  }
0xb0: {  	[dreg:$0x4] =	wrdreg $0x9  }
0xb1: {  	_ =	task.clear_ibuf [dreg:s7], $0x5FFFF;
	_ =	strace $0x90000046  }
0xb2: {  	s29 =	simm.s32 $0x9;
	_ =	strace $0x80000048  }
0xb3: {  	_ =	swait.ge [sflag:s29], $0x1  }
0xb4: {  	[sflag:s29] =	ssyncadd.s32 $0xFFFFFFFF  }
0xb5: {  	_ =	strace $0x90000048  }
0xb6: {  	_ =	sfence  }
0xb7: {  	s30 =	sld [smem:$0x0];
	_ =	sdelay $0x2  }
0xb8: {  	s31 =	sshll.u32 s1, $0xD;
	s1 =	sshrl.u32 s1, $0x2  }
0xb9: {  	s3 =	sand.u32 $0x4000, s31;
	s1 =	sadd.s32 s1, s30  }
0xba: {  	s0 =	sor.u32 s3, s0;
	s1 =	sshll.u32 s1, $0x11  }
0xbb: {  	s0 =	sor.u32 s1, s0  }
0xbc: {  	s0 =	sadd.s32 $0x8F2B, s0  }
0xbd: {  	[sflag:s0] =	ssyncadd.remote.s32 $0x1  }
0xbe: {  	_ =	sfence.sel $0xFFFF  }
0xbf: {  	[dreg:$0x0] =	wrdreg $0xFFFFFFFF;
	(pc) =	sbr.abs _section_cstart, $3  }
0xc0: {  	[dreg:$0x1] =	wrdreg $0xFFFFFFFF  }
0xc1: {  	_ =	task.clear_ibuf [dreg:s7], $0x2FFFF;
	_ =	strace $0x9FFFFFFF  }
0xc2: {  	(tm) =	ssettm $0x7FFFFFFF  }
0xc3: {  	_ =	shalt  }
tec
execute0_lowered:
.L_overlay_start_1:
0x0: {  	(tag) =	ssettag $0x1  }
0x1: {  	s1 =	srdreg.scid;
	s3 =	rddreg [dreg:$0x0]  }
0x2: {  	s0 =	stileid.u32;
	s5 =	rddreg [dreg:$0x1]  }
0x3: {  	s2 =	simm.s32 $0x0;
	s9 =	simm.s32 $0x1A00;
	s10 =	simm.s32 $0x68  }
0x4: {  	s11 =	simm.s32 $0x3300;
	s12 =	simm.s32 $0xD0;
	s13 =	simm.s32 $0x4C00  }
0x5: {  	s14 =	simm.s32 $0x138;
	s15 =	simm.s32 $0x6500;
	s16 =	simm.s32 $0x1  }
0x6: {  	s17 =	simm.s32 $0x2;
	s18 =	simm.s32 $0x3;
	s19 =	simm.s32 $0x4  }
0x7: {  	s20 =	simm.s32 $0x7E00;
	s4 =	sand.u32 $0x1, s1;
	s1 =	rddreg [dreg:$0x2]  }
0x8: {  	s21 =	simm.s32 $0x0;
	s31 =	sshll.u32 s0, $0x1;
	[smem:$0x7FF] =	sst s2  }
.Ltmp0:
0x9: {  	s6 =	sor.u32 s4, s31;
	s4 =	ssub.s32 $0x2, s4;
	(pc) =	sbr.rel .LBB2_1-.Ltmp0, $4  }
0xa: {  	s7 =	smul.u32 $0x340, s6;
	s8 =	sshrl.u32 s4, $0x1;
	s6 =	sshll.u32 s6, $0xA  }
0xb: {  	_ =	strace $0x80000047;
	s8 =	ssub.s32 s4, s8;
	s5 =	sadd.s32 s5, s6  }
0xc: {  	s7 =	sadd.s32 s7, s3;
	s3 =	sadd.s32 $0x187000, s3;
	s6 =	smax.u32 s8, $0x1  }
0xd: {  	s8 =	simm.s32 $0x64;
	s4 =	sadd.s32 $0x600, s7;
	s7 =	simm.s32 $0x5  }
.LBB2_20:
0xe: {  	s21 =	sadd.s32 $0x1, s21  }
0xf: {  	p0 =	sne.s32 s21, s6  }
.Ltmp1:
0x10: {  	_ = 	snop;
	(pc) =	sbr.rel @!p0 .LBB2_21-.Ltmp1, $4  }
0x11: {  	[hbm4b:s5+s2] =	stream.linear.scatter [tilespmem:s20], [sflag:$0x5], $0x2000, $0x38;
	[tilespmem:$0x9E00] =	vst v63  }
0x12: {  	_ =	swait.ge [sflag:s7], $0x2000  }
0x13: {  	[sflag:s7] =	ssyncset.done $0x0  }
0x14: {  	[sflag:s7] =	ssyncadd.s32 $0xFFFFE000  }
.LBB2_1:
0x15: {  	[tilespmem:s2], [sflag:$0x5] =	stream.linear.gather [hbm4b:s4+s2], $0x1A00, $0x38;
	[tilespmem:$0x9E00] =	vst v63  }
0x16: {  	_ =	swait.ge [sflag:s7], $0x1A00  }
0x17: {  	[sflag:s7] =	ssyncset.done $0x0  }
0x18: {  	[sflag:s7] =	ssyncadd.s32 $0xFFFFE600  }
0x19: {  	[tilespmem:s9], [sflag:$0x1] =	stream.indirect.gather [hbm4b:s3+s8], $0x40, s2, s8, $0xb8;
	[tilespmem:$0x9E00] =	vst v63  }
0x1a: {  	_ = 	snop  }
0x1b: {  	[tilespmem:s11], [sflag:$0x2] =	stream.indirect.gather [hbm4b:s3+s8], $0x40, s10, s8, $0xb8;
	[tilespmem:$0x9E00] =	vst v63  }
0x1c: {  	_ = 	snop  }
0x1d: {  	[tilespmem:s13], [sflag:$0x3] =	stream.indirect.gather [hbm4b:s3+s8], $0x40, s12, s8, $0xb8;
	[tilespmem:$0x9E00] =	vst v63  }
0x1e: {  	s22 =	simm.s32 $0x0  }
0x1f: {  	[tilespmem:s15], [sflag:$0x4] =	stream.indirect.gather [hbm4b:s3+s8], $0x40, s14, s8, $0xb8;
	[tilespmem:$0x9E00] =	vst v63  }
.LBB2_2:
0x20: {  	_ =	swait.ge [sflag:s16], $0x1900  }
0x21: {  	[sflag:s16] =	ssyncset.done $0x0  }
0x22: {  	s25 =	simm.s32 $0x0;
	[sflag:s16] =	ssyncadd.s32 $0xFFFFE700  }
0x23: {  	v0 =	vld [tilespmem:s25+$0x1A70]  }
0x24: {  	v1 =	vld [tilespmem:s25+$0x1A00]  }
0x25: {  	v2 =	vld [tilespmem:s25+$0x1A10]  }
0x26: {  	v5 =	vld [tilespmem:s25+$0x1A20]  }
0x27: {  	v6 =	vld [tilespmem:s25+$0x1A30]  }
0x28: {  	v3 =	vimm.f32 $0.0e+00;
	v4 =	vimm.f32 $0.0e+00;
	v7 =	vld [tilespmem:s25+$0x1A40]  }
0x29: {  	v10 =	vimm.f32 $0.0e+00;
	v8 =	vimm.f32 $0.0e+00;
	v11 =	vld [tilespmem:s25+$0x1A50];
	v0 =	vadd.f32 v0, v3  }
0x2a: {  	s23 =	simm.s32 $0x80;
	s24 =	simm.s32 $0x400;
	v9 =	vimm.f32 $0.0e+00;
	v12 =	vld [tilespmem:s25+$0x1A60];
	v1 =	vadd.f32 v1, v3;
	v2 =	vadd.f32 v2, v3  }
.LBB2_3:
0x2b: {  	p0 =	sne.s32 s24, $0x3000;
	v13 =	vld [tilespmem:s23+$0x1A70];
	v3 =	vadd.f32 v5, v3  }
0x2c: {  	v14 =	vld [tilespmem:s23+$0x1A00];
	v4 =	vadd.f32 v6, v4  }
0x2d: {  	v15 =	vld [tilespmem:s23+$0x1A10];
	v10 =	vadd.f32 v7, v10  }
.Ltmp2:
0x2e: {  	v5 =	vld [tilespmem:s23+$0x1A20];
	v8 =	vadd.f32 v11, v8;
	(pc) =	sbr.rel @p0 .LBB2_3-.Ltmp2, $4  }
0x2f: {  	v6 =	vld [tilespmem:s23+$0x1A30];
	v9 =	vadd.f32 v12, v9  }
0x30: {  	v7 =	vld [tilespmem:s23+$0x1A40];
	v0 =	vadd.f32 v13, v0  }
0x31: {  	v1 =	vadd.f32 v14, v1;
	v11 =	vld [tilespmem:s23+$0x1A50]  }
0x32: {  	v2 =	vadd.f32 v15, v2;
	v12 =	vld [tilespmem:s23+$0x1A60];
	s23 =	sshra.s32 s24, $0x2;
	s24 =	sadd.s32 $0x200, s24  }
0x33: {  	v13 =	vld [tilespmem:s23+$0x1A70]  }
0x34: {  	v14 =	vld [tilespmem:s23+$0x1A00]  }
0x35: {  	v15 =	vld [tilespmem:s23+$0x1A10]  }
0x36: {  	v16 =	vld [tilespmem:s23+$0x1A20]  }
0x37: {  	v17 =	vld [tilespmem:s23+$0x1A40]  }
0x38: {  	v3 =	vadd.f32 v5, v3;
	v5 =	vld [tilespmem:s23+$0x1A50]  }
0x39: {  	v4 =	vadd.f32 v6, v4;
	v6 =	vadd.f32 v7, v10;
	v7 =	vld [tilespmem:s23+$0x1A60]  }
0x3a: {  	v10 =	vld [tilespmem:s23+$0x1A30];
	v8 =	vadd.f32 v11, v8;
	v9 =	vadd.f32 v12, v9  }
0x3b: {  	v0 =	vadd.f32 v13, v0;
	v1 =	vadd.f32 v14, v1  }
0x3c: {  	v2 =	vadd.f32 v15, v2;
	v6 =	vadd.f32 v17, v6  }
0x3d: {  	v3 =	vadd.f32 v16, v3;
	v5 =	vadd.f32 v5, v8  }
0x3e: {  	v7 =	vadd.f32 v7, v9;
	v1 =	vadd.f32 v6, v1  }
0x3f: {  	v4 =	vadd.f32 v10, v4;
	v2 =	vadd.f32 v5, v2  }
0x40: {  	s31 =	sshll.u32 s22, $0xB;
	v1 =	vmul.f32 $1.999999960e-02, v1;
	v3 =	vadd.f32 v7, v3  }
0x41: {  	s23 =	sshra.s32 s31, $0x2;
	v2 =	vmul.f32 $1.999999960e-02, v2;
	v0 =	vadd.f32 v0, v4  }
0x42: {  	[tilespmem:s23+$0x7E00] =	vst v1;
	v1 =	vmul.f32 $1.999999960e-02, v3  }
0x43: {  	[tilespmem:s23+$0x7E10] =	vst v2;
	v0 =	vmul.f32 $1.999999960e-02, v0  }
0x44: {  	[tilespmem:s23+$0x7E20] =	vst v1  }
0x45: {  	s26 =	simm.s32 $0x0;
	[tilespmem:s23+$0x7E30] =	vst v0  }
0x46: {  	v0 =	vld [tilespmem:s26+$0x26F0]  }
0x47: {  	v1 =	vld [tilespmem:s26+$0x2680]  }
0x48: {  	v2 =	vld [tilespmem:s26+$0x2690]  }
0x49: {  	v5 =	vld [tilespmem:s26+$0x26A0]  }
0x4a: {  	v6 =	vld [tilespmem:s26+$0x26B0]  }
0x4b: {  	v8 =	vimm.f32 $0.0e+00;
	v3 =	vimm.f32 $0.0e+00;
	v7 =	vld [tilespmem:s26+$0x26C0]  }
0x4c: {  	v10 =	vimm.f32 $0.0e+00;
	v9 =	vimm.f32 $0.0e+00;
	v11 =	vld [tilespmem:s26+$0x26D0];
	v0 =	vadd.f32 v0, v3  }
0x4d: {  	s24 =	simm.s32 $0x80;
	s25 =	simm.s32 $0x400;
	v4 =	vimm.f32 $0.0e+00;
	v12 =	vld [tilespmem:s26+$0x26E0];
	v1 =	vadd.f32 v1, v3;
	v2 =	vadd.f32 v2, v3  }
.LBB2_5:
0x4e: {  	p0 =	sne.s32 s25, $0x3000;
	v13 =	vld [tilespmem:s24+$0x26F0];
	v3 =	vadd.f32 v5, v3  }
0x4f: {  	v14 =	vld [tilespmem:s24+$0x2680];
	v4 =	vadd.f32 v6, v4  }
0x50: {  	v15 =	vld [tilespmem:s24+$0x2690];
	v10 =	vadd.f32 v7, v10  }
.Ltmp3:
0x51: {  	v5 =	vld [tilespmem:s24+$0x26A0];
	v8 =	vadd.f32 v11, v8;
	(pc) =	sbr.rel @p0 .LBB2_5-.Ltmp3, $4  }
0x52: {  	v6 =	vld [tilespmem:s24+$0x26B0];
	v9 =	vadd.f32 v12, v9  }
0x53: {  	v7 =	vld [tilespmem:s24+$0x26C0];
	v0 =	vadd.f32 v13, v0  }
0x54: {  	v1 =	vadd.f32 v14, v1;
	v11 =	vld [tilespmem:s24+$0x26D0]  }
0x55: {  	v2 =	vadd.f32 v15, v2;
	v12 =	vld [tilespmem:s24+$0x26E0];
	s24 =	sshra.s32 s25, $0x2;
	s25 =	sadd.s32 $0x200, s25  }
0x56: {  	v13 =	vld [tilespmem:s24+$0x26F0]  }
0x57: {  	v14 =	vld [tilespmem:s24+$0x2680]  }
0x58: {  	v15 =	vld [tilespmem:s24+$0x2690]  }
0x59: {  	v16 =	vld [tilespmem:s24+$0x26A0]  }
0x5a: {  	v17 =	vld [tilespmem:s24+$0x26C0]  }
0x5b: {  	v3 =	vadd.f32 v5, v3;
	v5 =	vld [tilespmem:s24+$0x26D0]  }
0x5c: {  	v4 =	vadd.f32 v6, v4;
	v6 =	vadd.f32 v7, v10;
	v7 =	vld [tilespmem:s24+$0x26E0]  }
0x5d: {  	v10 =	vld [tilespmem:s24+$0x26B0];
	v8 =	vadd.f32 v11, v8;
	v9 =	vadd.f32 v12, v9  }
0x5e: {  	v0 =	vadd.f32 v13, v0;
	v1 =	vadd.f32 v14, v1  }
0x5f: {  	v2 =	vadd.f32 v15, v2;
	v6 =	vadd.f32 v17, v6  }
0x60: {  	v3 =	vadd.f32 v16, v3;
	v5 =	vadd.f32 v5, v8  }
0x61: {  	v7 =	vadd.f32 v7, v9;
	v1 =	vadd.f32 v6, v1  }
0x62: {  	v4 =	vadd.f32 v10, v4;
	v2 =	vadd.f32 v5, v2  }
0x63: {  	v1 =	vmul.f32 $1.999999960e-02, v1;
	v3 =	vadd.f32 v7, v3  }
0x64: {  	p0 =	seq.s32 s22, $0xF;
	v2 =	vmul.f32 $1.999999960e-02, v2;
	v0 =	vadd.f32 v0, v4  }
0x65: {  	s24 =	smul.u32 @!p0 $0x680, s22;
	[tilespmem:s23+$0x7E40] =	vst v1;
	v1 =	vmul.f32 $1.999999960e-02, v3  }
0x66: {  	[tilespmem:s23+$0x7E50] =	vst v2;
	v0 =	vmul.f32 $1.999999960e-02, v0  }
0x67: {  	s24 =	sshra.s32 @!p0 s24, $0x2;
	[tilespmem:s23+$0x7E60] =	vst v1  }
0x68: {  	s26 =	simm.s32 @!p0 $0x64;
	s28 =	simm.s32 @!p0 $0x1A00;
	s25 =	sadd.s32 @!p0 $0x1A0, s24;
	[tilespmem:s23+$0x7E70] =	vst v0  }
0x69: {  	[tilespmem:s28], [sflag:$0x1] =	stream.indirect.gather @!p0 [hbm4b:s3+s26], $0x40, s25, s26, $0xb8;
	[tilespmem:$0x9E00] =	vst v63  }
0x6a: {  	_ =	swait.ge [sflag:s17], $0x1900  }
0x6b: {  	[sflag:s17] =	ssyncset.done $0x0  }
0x6c: {  	s31 =	simm.s32 $0x0;
	[sflag:s17] =	ssyncadd.s32 $0xFFFFE700  }
0x6d: {  	v0 =	vld [tilespmem:s31+$0x3370]  }
0x6e: {  	v1 =	vld [tilespmem:s31+$0x3300]  }
0x6f: {  	v2 =	vld [tilespmem:s31+$0x3310]  }
0x70: {  	v5 =	vld [tilespmem:s31+$0x3320]  }
0x71: {  	v6 =	vld [tilespmem:s31+$0x3330]  }
0x72: {  	v8 =	vimm.f32 $0.0e+00;
	v3 =	vimm.f32 $0.0e+00;
	v7 =	vld [tilespmem:s31+$0x3340]  }
0x73: {  	v10 =	vimm.f32 $0.0e+00;
	v9 =	vimm.f32 $0.0e+00;
	v11 =	vld [tilespmem:s31+$0x3350];
	v0 =	vadd.f32 v0, v3  }
0x74: {  	v4 =	vimm.f32 $0.0e+00;
	s25 =	simm.s32 $0x80;
	s26 =	simm.s32 $0x400;
	v12 =	vld [tilespmem:s31+$0x3360];
	v1 =	vadd.f32 v1, v3;
	v2 =	vadd.f32 v2, v3  }
.LBB2_7:
0x75: {  	p1 =	sne.s32 s26, $0x3000;
	v13 =	vld [tilespmem:s25+$0x3370];
	v3 =	vadd.f32 v5, v3  }
0x76: {  	v14 =	vld [tilespmem:s25+$0x3300];
	v4 =	vadd.f32 v6, v4  }
0x77: {  	v15 =	vld [tilespmem:s25+$0x3310];
	v10 =	vadd.f32 v7, v10  }
.Ltmp4:
0x78: {  	v5 =	vld [tilespmem:s25+$0x3320];
	v8 =	vadd.f32 v11, v8;
	(pc) =	sbr.rel @p1 .LBB2_7-.Ltmp4, $4  }
0x79: {  	v6 =	vld [tilespmem:s25+$0x3330];
	v9 =	vadd.f32 v12, v9  }
0x7a: {  	v7 =	vld [tilespmem:s25+$0x3340];
	v0 =	vadd.f32 v13, v0  }
0x7b: {  	v1 =	vadd.f32 v14, v1;
	v11 =	vld [tilespmem:s25+$0x3350]  }
0x7c: {  	v2 =	vadd.f32 v15, v2;
	v12 =	vld [tilespmem:s25+$0x3360];
	s25 =	sshra.s32 s26, $0x2;
	s26 =	sadd.s32 $0x200, s26  }
0x7d: {  	v13 =	vld [tilespmem:s25+$0x3370]  }
0x7e: {  	v14 =	vld [tilespmem:s25+$0x3300]  }
0x7f: {  	v15 =	vld [tilespmem:s25+$0x3310]  }
0x80: {  	v16 =	vld [tilespmem:s25+$0x3320]  }
0x81: {  	v17 =	vld [tilespmem:s25+$0x3340]  }
0x82: {  	v3 =	vadd.f32 v5, v3;
	v5 =	vld [tilespmem:s25+$0x3350]  }
0x83: {  	v4 =	vadd.f32 v6, v4;
	v6 =	vadd.f32 v7, v10;
	v7 =	vld [tilespmem:s25+$0x3360]  }
0x84: {  	v10 =	vld [tilespmem:s25+$0x3330];
	v8 =	vadd.f32 v11, v8;
	v9 =	vadd.f32 v12, v9  }
0x85: {  	v0 =	vadd.f32 v13, v0;
	v1 =	vadd.f32 v14, v1  }
0x86: {  	v2 =	vadd.f32 v15, v2;
	v6 =	vadd.f32 v17, v6  }
0x87: {  	v3 =	vadd.f32 v16, v3;
	v5 =	vadd.f32 v5, v8  }
0x88: {  	v7 =	vadd.f32 v7, v9;
	v1 =	vadd.f32 v6, v1  }
0x89: {  	v4 =	vadd.f32 v10, v4;
	v2 =	vadd.f32 v5, v2  }
0x8a: {  	v1 =	vmul.f32 $1.999999960e-02, v1;
	v3 =	vadd.f32 v7, v3  }
0x8b: {  	v2 =	vmul.f32 $1.999999960e-02, v2;
	v0 =	vadd.f32 v0, v4  }
0x8c: {  	[tilespmem:s23+$0x7E80] =	vst v1;
	v1 =	vmul.f32 $1.999999960e-02, v3  }
0x8d: {  	[tilespmem:s23+$0x7E90] =	vst v2;
	v0 =	vmul.f32 $1.999999960e-02, v0  }
0x8e: {  	[tilespmem:s23+$0x7EA0] =	vst v1  }
0x8f: {  	s28 =	simm.s32 $0x0;
	[tilespmem:s23+$0x7EB0] =	vst v0  }
0x90: {  	v0 =	vld [tilespmem:s28+$0x3FF0]  }
0x91: {  	v1 =	vld [tilespmem:s28+$0x3F80]  }
0x92: {  	v2 =	vld [tilespmem:s28+$0x3F90]  }
0x93: {  	v5 =	vld [tilespmem:s28+$0x3FA0]  }
0x94: {  	v6 =	vld [tilespmem:s28+$0x3FB0]  }
0x95: {  	v8 =	vimm.f32 $0.0e+00;
	v3 =	vimm.f32 $0.0e+00;
	v7 =	vld [tilespmem:s28+$0x3FC0]  }
0x96: {  	v10 =	vimm.f32 $0.0e+00;
	v9 =	vimm.f32 $0.0e+00;
	v11 =	vld [tilespmem:s28+$0x3FD0];
	v0 =	vadd.f32 v0, v3  }
0x97: {  	s26 =	simm.s32 $0x400;
	s25 =	simm.s32 $0x80;
	v4 =	vimm.f32 $0.0e+00;
	v12 =	vld [tilespmem:s28+$0x3FE0];
	v1 =	vadd.f32 v1, v3;
	v2 =	vadd.f32 v2, v3  }
.LBB2_9:
0x98: {  	p1 =	sne.s32 s26, $0x3000;
	v13 =	vld [tilespmem:s25+$0x3FF0];
	v3 =	vadd.f32 v5, v3  }
0x99: {  	v14 =	vld [tilespmem:s25+$0x3F80];
	v4 =	vadd.f32 v6, v4  }
0x9a: {  	v15 =	vld [tilespmem:s25+$0x3F90];
	v10 =	vadd.f32 v7, v10  }
.Ltmp5:
0x9b: {  	v5 =	vld [tilespmem:s25+$0x3FA0];
	v8 =	vadd.f32 v11, v8;
	(pc) =	sbr.rel @p1 .LBB2_9-.Ltmp5, $4  }
0x9c: {  	v6 =	vld [tilespmem:s25+$0x3FB0];
	v9 =	vadd.f32 v12, v9  }
0x9d: {  	v7 =	vld [tilespmem:s25+$0x3FC0];
	v0 =	vadd.f32 v13, v0  }
0x9e: {  	v1 =	vadd.f32 v14, v1;
	v11 =	vld [tilespmem:s25+$0x3FD0]  }
0x9f: {  	v2 =	vadd.f32 v15, v2;
	v12 =	vld [tilespmem:s25+$0x3FE0];
	s25 =	sshra.s32 s26, $0x2;
	s26 =	sadd.s32 $0x200, s26  }
0xa0: {  	v13 =	vld [tilespmem:s25+$0x3FF0]  }
0xa1: {  	v14 =	vld [tilespmem:s25+$0x3F80]  }
0xa2: {  	v15 =	vld [tilespmem:s25+$0x3F90]  }
0xa3: {  	v16 =	vld [tilespmem:s25+$0x3FA0]  }
0xa4: {  	v17 =	vld [tilespmem:s25+$0x3FC0]  }
0xa5: {  	v3 =	vadd.f32 v5, v3;
	v5 =	vld [tilespmem:s25+$0x3FD0]  }
0xa6: {  	v4 =	vadd.f32 v6, v4;
	v6 =	vadd.f32 v7, v10;
	v7 =	vld [tilespmem:s25+$0x3FE0]  }
0xa7: {  	v10 =	vld [tilespmem:s25+$0x3FB0];
	v8 =	vadd.f32 v11, v8;
	v9 =	vadd.f32 v12, v9  }
0xa8: {  	v0 =	vadd.f32 v13, v0;
	v1 =	vadd.f32 v14, v1  }
0xa9: {  	v2 =	vadd.f32 v15, v2;
	v6 =	vadd.f32 v17, v6  }
0xaa: {  	v3 =	vadd.f32 v16, v3;
	v5 =	vadd.f32 v5, v8  }
0xab: {  	v7 =	vadd.f32 v7, v9;
	v1 =	vadd.f32 v6, v1  }
0xac: {  	v4 =	vadd.f32 v10, v4;
	v2 =	vadd.f32 v5, v2  }
0xad: {  	v1 =	vmul.f32 $1.999999960e-02, v1;
	v3 =	vadd.f32 v7, v3  }
0xae: {  	v2 =	vmul.f32 $1.999999960e-02, v2;
	v0 =	vadd.f32 v0, v4  }
0xaf: {  	[tilespmem:s23+$0x7EC0] =	vst v1;
	v1 =	vmul.f32 $1.999999960e-02, v3  }
0xb0: {  	[tilespmem:s23+$0x7ED0] =	vst v2;
	v0 =	vmul.f32 $1.999999960e-02, v0  }
0xb1: {  	[tilespmem:s23+$0x7EE0] =	vst v1  }
0xb2: {  	s26 =	simm.s32 @!p0 $0x64;
	s28 =	simm.s32 @!p0 $0x3300;
	s25 =	sadd.s32 @!p0 $0x208, s24;
	[tilespmem:s23+$0x7EF0] =	vst v0  }
0xb3: {  	[tilespmem:s28], [sflag:$0x2] =	stream.indirect.gather @!p0 [hbm4b:s3+s26], $0x40, s25, s26, $0xb8;
	[tilespmem:$0x9E00] =	vst v63  }
0xb4: {  	_ =	swait.ge [sflag:s18], $0x1900  }
0xb5: {  	[sflag:s18] =	ssyncset.done $0x0  }
0xb6: {  	s31 =	simm.s32 $0x0;
	[sflag:s18] =	ssyncadd.s32 $0xFFFFE700  }
0xb7: {  	v0 =	vld [tilespmem:s31+$0x4C70]  }
0xb8: {  	v1 =	vld [tilespmem:s31+$0x4C00]  }
0xb9: {  	v2 =	vld [tilespmem:s31+$0x4C10]  }
0xba: {  	v5 =	vld [tilespmem:s31+$0x4C20]  }
0xbb: {  	v6 =	vld [tilespmem:s31+$0x4C30]  }
0xbc: {  	v8 =	vimm.f32 $0.0e+00;
	v3 =	vimm.f32 $0.0e+00;
	v7 =	vld [tilespmem:s31+$0x4C40]  }
0xbd: {  	v10 =	vimm.f32 $0.0e+00;
	v9 =	vimm.f32 $0.0e+00;
	v11 =	vld [tilespmem:s31+$0x4C50];
	v0 =	vadd.f32 v0, v3  }
0xbe: {  	v4 =	vimm.f32 $0.0e+00;
	s25 =	simm.s32 $0x80;
	s26 =	simm.s32 $0x400;
	v12 =	vld [tilespmem:s31+$0x4C60];
	v1 =	vadd.f32 v1, v3;
	v2 =	vadd.f32 v2, v3  }
.LBB2_11:
0xbf: {  	p1 =	sne.s32 s26, $0x3000;
	v13 =	vld [tilespmem:s25+$0x4C70];
	v3 =	vadd.f32 v5, v3  }
0xc0: {  	v14 =	vld [tilespmem:s25+$0x4C00];
	v4 =	vadd.f32 v6, v4  }
0xc1: {  	v15 =	vld [tilespmem:s25+$0x4C10];
	v10 =	vadd.f32 v7, v10  }
.Ltmp6:
0xc2: {  	v5 =	vld [tilespmem:s25+$0x4C20];
	v8 =	vadd.f32 v11, v8;
	(pc) =	sbr.rel @p1 .LBB2_11-.Ltmp6, $4  }
0xc3: {  	v6 =	vld [tilespmem:s25+$0x4C30];
	v9 =	vadd.f32 v12, v9  }
0xc4: {  	v7 =	vld [tilespmem:s25+$0x4C40];
	v0 =	vadd.f32 v13, v0  }
0xc5: {  	v1 =	vadd.f32 v14, v1;
	v11 =	vld [tilespmem:s25+$0x4C50]  }
0xc6: {  	v2 =	vadd.f32 v15, v2;
	v12 =	vld [tilespmem:s25+$0x4C60];
	s25 =	sshra.s32 s26, $0x2;
	s26 =	sadd.s32 $0x200, s26  }
0xc7: {  	v13 =	vld [tilespmem:s25+$0x4C70]  }
0xc8: {  	v14 =	vld [tilespmem:s25+$0x4C00]  }
0xc9: {  	v15 =	vld [tilespmem:s25+$0x4C10]  }
0xca: {  	v16 =	vld [tilespmem:s25+$0x4C20]  }
0xcb: {  	v17 =	vld [tilespmem:s25+$0x4C40]  }
0xcc: {  	v3 =	vadd.f32 v5, v3;
	v5 =	vld [tilespmem:s25+$0x4C50]  }
0xcd: {  	v4 =	vadd.f32 v6, v4;
	v6 =	vadd.f32 v7, v10;
	v7 =	vld [tilespmem:s25+$0x4C60]  }
0xce: {  	v10 =	vld [tilespmem:s25+$0x4C30];
	v8 =	vadd.f32 v11, v8;
	v9 =	vadd.f32 v12, v9  }
0xcf: {  	v0 =	vadd.f32 v13, v0;
	v1 =	vadd.f32 v14, v1  }
0xd0: {  	v2 =	vadd.f32 v15, v2;
	v6 =	vadd.f32 v17, v6  }
0xd1: {  	v3 =	vadd.f32 v16, v3;
	v5 =	vadd.f32 v5, v8  }
0xd2: {  	v7 =	vadd.f32 v7, v9;
	v1 =	vadd.f32 v6, v1  }
0xd3: {  	v4 =	vadd.f32 v10, v4;
	v2 =	vadd.f32 v5, v2  }
0xd4: {  	v1 =	vmul.f32 $1.999999960e-02, v1;
	v3 =	vadd.f32 v7, v3  }
0xd5: {  	v2 =	vmul.f32 $1.999999960e-02, v2;
	v0 =	vadd.f32 v0, v4  }
0xd6: {  	[tilespmem:s23+$0x7F00] =	vst v1;
	v1 =	vmul.f32 $1.999999960e-02, v3  }
0xd7: {  	[tilespmem:s23+$0x7F10] =	vst v2;
	v0 =	vmul.f32 $1.999999960e-02, v0  }
0xd8: {  	[tilespmem:s23+$0x7F20] =	vst v1  }
0xd9: {  	s28 =	simm.s32 $0x0;
	[tilespmem:s23+$0x7F30] =	vst v0  }
0xda: {  	v0 =	vld [tilespmem:s28+$0x58F0]  }
0xdb: {  	v1 =	vld [tilespmem:s28+$0x5880]  }
0xdc: {  	v2 =	vld [tilespmem:s28+$0x5890]  }
0xdd: {  	v5 =	vld [tilespmem:s28+$0x58A0]  }
0xde: {  	v6 =	vld [tilespmem:s28+$0x58B0]  }
0xdf: {  	v8 =	vimm.f32 $0.0e+00;
	v3 =	vimm.f32 $0.0e+00;
	v7 =	vld [tilespmem:s28+$0x58C0]  }
0xe0: {  	v10 =	vimm.f32 $0.0e+00;
	v9 =	vimm.f32 $0.0e+00;
	v11 =	vld [tilespmem:s28+$0x58D0];
	v0 =	vadd.f32 v0, v3  }
0xe1: {  	s26 =	simm.s32 $0x400;
	s25 =	simm.s32 $0x80;
	v4 =	vimm.f32 $0.0e+00;
	v12 =	vld [tilespmem:s28+$0x58E0];
	v1 =	vadd.f32 v1, v3;
	v2 =	vadd.f32 v2, v3  }
.LBB2_13:
0xe2: {  	p1 =	sne.s32 s26, $0x3000;
	v13 =	vld [tilespmem:s25+$0x58F0];
	v3 =	vadd.f32 v5, v3  }
0xe3: {  	v14 =	vld [tilespmem:s25+$0x5880];
	v4 =	vadd.f32 v6, v4  }
0xe4: {  	v15 =	vld [tilespmem:s25+$0x5890];
	v10 =	vadd.f32 v7, v10  }
.Ltmp7:
0xe5: {  	v5 =	vld [tilespmem:s25+$0x58A0];
	v8 =	vadd.f32 v11, v8;
	(pc) =	sbr.rel @p1 .LBB2_13-.Ltmp7, $4  }
0xe6: {  	v6 =	vld [tilespmem:s25+$0x58B0];
	v9 =	vadd.f32 v12, v9  }
0xe7: {  	v7 =	vld [tilespmem:s25+$0x58C0];
	v0 =	vadd.f32 v13, v0  }
0xe8: {  	v1 =	vadd.f32 v14, v1;
	v11 =	vld [tilespmem:s25+$0x58D0]  }
0xe9: {  	v2 =	vadd.f32 v15, v2;
	v12 =	vld [tilespmem:s25+$0x58E0];
	s25 =	sshra.s32 s26, $0x2;
	s26 =	sadd.s32 $0x200, s26  }
0xea: {  	v13 =	vld [tilespmem:s25+$0x58F0]  }
0xeb: {  	v14 =	vld [tilespmem:s25+$0x5880]  }
0xec: {  	v15 =	vld [tilespmem:s25+$0x5890]  }
0xed: {  	v16 =	vld [tilespmem:s25+$0x58A0]  }
0xee: {  	v17 =	vld [tilespmem:s25+$0x58C0]  }
0xef: {  	v3 =	vadd.f32 v5, v3;
	v5 =	vld [tilespmem:s25+$0x58D0]  }
0xf0: {  	v4 =	vadd.f32 v6, v4;
	v6 =	vadd.f32 v7, v10;
	v7 =	vld [tilespmem:s25+$0x58E0]  }
0xf1: {  	v10 =	vld [tilespmem:s25+$0x58B0];
	v8 =	vadd.f32 v11, v8;
	v9 =	vadd.f32 v12, v9  }
0xf2: {  	v0 =	vadd.f32 v13, v0;
	v1 =	vadd.f32 v14, v1  }
0xf3: {  	v2 =	vadd.f32 v15, v2;
	v6 =	vadd.f32 v17, v6  }
0xf4: {  	v3 =	vadd.f32 v16, v3;
	v5 =	vadd.f32 v5, v8  }
0xf5: {  	v7 =	vadd.f32 v7, v9;
	v1 =	vadd.f32 v6, v1  }
0xf6: {  	v4 =	vadd.f32 v10, v4;
	v2 =	vadd.f32 v5, v2  }
0xf7: {  	v1 =	vmul.f32 $1.999999960e-02, v1;
	v3 =	vadd.f32 v7, v3  }
0xf8: {  	v2 =	vmul.f32 $1.999999960e-02, v2;
	v0 =	vadd.f32 v0, v4  }
0xf9: {  	[tilespmem:s23+$0x7F40] =	vst v1;
	v1 =	vmul.f32 $1.999999960e-02, v3  }
0xfa: {  	[tilespmem:s23+$0x7F50] =	vst v2;
	v0 =	vmul.f32 $1.999999960e-02, v0  }
0xfb: {  	[tilespmem:s23+$0x7F60] =	vst v1  }
0xfc: {  	s24 =	sadd.s32 @!p0 $0x270, s24;
	s26 =	simm.s32 @!p0 $0x4C00;
	s25 =	simm.s32 @!p0 $0x64;
	[tilespmem:s23+$0x7F70] =	vst v0  }
0xfd: {  	[tilespmem:s26], [sflag:$0x3] =	stream.indirect.gather @!p0 [hbm4b:s3+s25], $0x40, s24, s25, $0xb8;
	[tilespmem:$0x9E00] =	vst v63  }
0xfe: {  	_ =	swait.ge [sflag:s19], $0x1900  }
0xff: {  	[sflag:s19] =	ssyncset.done $0x0  }
0x100: {  	s31 =	simm.s32 $0x0;
	[sflag:s19] =	ssyncadd.s32 $0xFFFFE700  }
0x101: {  	v0 =	vld [tilespmem:s31+$0x6570]  }
0x102: {  	v1 =	vld [tilespmem:s31+$0x6500]  }
0x103: {  	v2 =	vld [tilespmem:s31+$0x6510]  }
0x104: {  	v5 =	vld [tilespmem:s31+$0x6520]  }
0x105: {  	v6 =	vld [tilespmem:s31+$0x6530]  }
0x106: {  	v8 =	vimm.f32 $0.0e+00;
	v3 =	vimm.f32 $0.0e+00;
	v7 =	vld [tilespmem:s31+$0x6540]  }
0x107: {  	v10 =	vimm.f32 $0.0e+00;
	v9 =	vimm.f32 $0.0e+00;
	v11 =	vld [tilespmem:s31+$0x6550];
	v0 =	vadd.f32 v0, v3  }
0x108: {  	v4 =	vimm.f32 $0.0e+00;
	s24 =	simm.s32 $0x80;
	s25 =	simm.s32 $0x400;
	v12 =	vld [tilespmem:s31+$0x6560];
	v1 =	vadd.f32 v1, v3;
	v2 =	vadd.f32 v2, v3  }
.LBB2_15:
0x109: {  	p1 =	sne.s32 s25, $0x3000;
	v13 =	vld [tilespmem:s24+$0x6570];
	v3 =	vadd.f32 v5, v3  }
0x10a: {  	v14 =	vld [tilespmem:s24+$0x6500];
	v4 =	vadd.f32 v6, v4  }
0x10b: {  	v15 =	vld [tilespmem:s24+$0x6510];
	v10 =	vadd.f32 v7, v10  }
.Ltmp8:
0x10c: {  	v5 =	vld [tilespmem:s24+$0x6520];
	v8 =	vadd.f32 v11, v8;
	(pc) =	sbr.rel @p1 .LBB2_15-.Ltmp8, $4  }
0x10d: {  	v6 =	vld [tilespmem:s24+$0x6530];
	v9 =	vadd.f32 v12, v9  }
0x10e: {  	v7 =	vld [tilespmem:s24+$0x6540];
	v0 =	vadd.f32 v13, v0  }
0x10f: {  	v1 =	vadd.f32 v14, v1;
	v11 =	vld [tilespmem:s24+$0x6550]  }
0x110: {  	v2 =	vadd.f32 v15, v2;
	v12 =	vld [tilespmem:s24+$0x6560];
	s24 =	sshra.s32 s25, $0x2;
	s25 =	sadd.s32 $0x200, s25  }
0x111: {  	v13 =	vld [tilespmem:s24+$0x6570]  }
0x112: {  	v14 =	vld [tilespmem:s24+$0x6500]  }
0x113: {  	v15 =	vld [tilespmem:s24+$0x6510]  }
0x114: {  	v16 =	vld [tilespmem:s24+$0x6520]  }
0x115: {  	v17 =	vld [tilespmem:s24+$0x6540]  }
0x116: {  	v3 =	vadd.f32 v5, v3;
	v5 =	vld [tilespmem:s24+$0x6550]  }
0x117: {  	v4 =	vadd.f32 v6, v4;
	v6 =	vadd.f32 v7, v10;
	v7 =	vld [tilespmem:s24+$0x6560]  }
0x118: {  	v10 =	vld [tilespmem:s24+$0x6530];
	v8 =	vadd.f32 v11, v8;
	v9 =	vadd.f32 v12, v9  }
0x119: {  	v0 =	vadd.f32 v13, v0;
	v1 =	vadd.f32 v14, v1  }
0x11a: {  	v2 =	vadd.f32 v15, v2;
	v6 =	vadd.f32 v17, v6  }
0x11b: {  	v3 =	vadd.f32 v16, v3;
	v5 =	vadd.f32 v5, v8  }
0x11c: {  	v7 =	vadd.f32 v7, v9;
	v1 =	vadd.f32 v6, v1  }
0x11d: {  	v4 =	vadd.f32 v10, v4;
	v2 =	vadd.f32 v5, v2  }
0x11e: {  	v1 =	vmul.f32 $1.999999960e-02, v1;
	v3 =	vadd.f32 v7, v3  }
0x11f: {  	v2 =	vmul.f32 $1.999999960e-02, v2;
	v0 =	vadd.f32 v0, v4  }
0x120: {  	[tilespmem:s23+$0x7F80] =	vst v1;
	v1 =	vmul.f32 $1.999999960e-02, v3  }
0x121: {  	[tilespmem:s23+$0x7F90] =	vst v2;
	v0 =	vmul.f32 $1.999999960e-02, v0  }
0x122: {  	[tilespmem:s23+$0x7FA0] =	vst v1  }
0x123: {  	s26 =	simm.s32 $0x0;
	[tilespmem:s23+$0x7FB0] =	vst v0  }
0x124: {  	v0 =	vld [tilespmem:s26+$0x71F0]  }
0x125: {  	v1 =	vld [tilespmem:s26+$0x7180]  }
0x126: {  	v2 =	vld [tilespmem:s26+$0x7190]  }
0x127: {  	v5 =	vld [tilespmem:s26+$0x71A0]  }
0x128: {  	v6 =	vld [tilespmem:s26+$0x71B0]  }
0x129: {  	v8 =	vimm.f32 $0.0e+00;
	v3 =	vimm.f32 $0.0e+00;
	v7 =	vld [tilespmem:s26+$0x71C0]  }
0x12a: {  	v10 =	vimm.f32 $0.0e+00;
	v9 =	vimm.f32 $0.0e+00;
	v11 =	vld [tilespmem:s26+$0x71D0];
	v0 =	vadd.f32 v0, v3  }
0x12b: {  	s25 =	simm.s32 $0x400;
	s24 =	simm.s32 $0x80;
	v4 =	vimm.f32 $0.0e+00;
	v12 =	vld [tilespmem:s26+$0x71E0];
	v1 =	vadd.f32 v1, v3;
	v2 =	vadd.f32 v2, v3  }
.LBB2_17:
0x12c: {  	p1 =	sne.s32 s25, $0x3000;
	v13 =	vld [tilespmem:s24+$0x71F0];
	v3 =	vadd.f32 v5, v3  }
0x12d: {  	v14 =	vld [tilespmem:s24+$0x7180];
	v4 =	vadd.f32 v6, v4  }
0x12e: {  	v15 =	vld [tilespmem:s24+$0x7190];
	v10 =	vadd.f32 v7, v10  }
.Ltmp9:
0x12f: {  	v5 =	vld [tilespmem:s24+$0x71A0];
	v8 =	vadd.f32 v11, v8;
	(pc) =	sbr.rel @p1 .LBB2_17-.Ltmp9, $4  }
0x130: {  	v6 =	vld [tilespmem:s24+$0x71B0];
	v9 =	vadd.f32 v12, v9  }
0x131: {  	v7 =	vld [tilespmem:s24+$0x71C0];
	v0 =	vadd.f32 v13, v0  }
0x132: {  	v1 =	vadd.f32 v14, v1;
	v11 =	vld [tilespmem:s24+$0x71D0]  }
0x133: {  	v2 =	vadd.f32 v15, v2;
	v12 =	vld [tilespmem:s24+$0x71E0];
	s24 =	sshra.s32 s25, $0x2;
	s25 =	sadd.s32 $0x200, s25  }
0x134: {  	v13 =	vld [tilespmem:s24+$0x71F0]  }
0x135: {  	v14 =	vld [tilespmem:s24+$0x7180]  }
0x136: {  	v15 =	vld [tilespmem:s24+$0x7190]  }
0x137: {  	v16 =	vld [tilespmem:s24+$0x71A0]  }
0x138: {  	v17 =	vld [tilespmem:s24+$0x71C0]  }
0x139: {  	v3 =	vadd.f32 v5, v3;
	v59 =	vld [tilespmem:s24+$0x71D0]  }
0x13a: {  	v62 =	vld [tilespmem:s24+$0x71B0];
	v4 =	vadd.f32 v6, v4;
	v60 =	vadd.f32 v7, v10  }
0x13b: {  	v61 =	vld [tilespmem:s24+$0x71E0];
	v8 =	vadd.f32 v11, v8;
	v9 =	vadd.f32 v12, v9  }
0x13c: {  	v0 =	vadd.f32 v13, v0;
	v1 =	vadd.f32 v14, v1  }
0x13d: {  	v2 =	vadd.f32 v15, v2;
	v6 =	vadd.f32 v17, v60  }
0x13e: {  	v3 =	vadd.f32 v16, v3;
	v5 =	vadd.f32 v59, v8  }
0x13f: {  	v4 =	vadd.f32 v62, v4;
	v1 =	vadd.f32 v6, v1  }
0x140: {  	v7 =	vadd.f32 v61, v9;
	v2 =	vadd.f32 v5, v2  }
0x141: {  	v0 =	vadd.f32 v0, v4;
	v1 =	vmul.f32 $1.999999960e-02, v1  }
.Ltmp10:
0x142: {  	v3 =	vadd.f32 v7, v3;
	v2 =	vmul.f32 $1.999999960e-02, v2;
	(pc) =	sbr.rel @p0 .LBB2_20-.Ltmp10, $4  }
0x143: {  	v0 =	vmul.f32 $1.999999960e-02, v0;
	[tilespmem:s23+$0x7FC0] =	vst v1  }
0x144: {  	v63 =	vmul.f32 $1.999999960e-02, v3;
	[tilespmem:s23+$0x7FD0] =	vst v2  }
0x145: {  	[tilespmem:s23+$0x7FF0] =	vst v0  }
0x146: {  	[tilespmem:s23+$0x7FE0] =	vst v63  }
0x147: {  	s23 =	smul.u32 $0x680, s22  }
.Ltmp11:
0x148: {  	_ = 	snop;
	(pc) =	sbr.rel .LBB2_2-.Ltmp11, $4  }
0x149: {  	_ = 	snop  }
0x14a: {  	s23 =	sshra.s32 s23, $0x2  }
0x14b: {  	s22 =	sadd.s32 $0x1, s22;
	s23 =	sadd.s32 $0x2D8, s23  }
0x14c: {  	[tilespmem:s15], [sflag:$0x4] =	stream.indirect.gather [hbm4b:s3+s8], $0x40, s23, s8, $0xb8;
	[tilespmem:$0x9E00] =	vst v63  }
.LBB2_21:
0x14d: {  	_ =	sfence.sel $0x180000  }
0x14e: {  	[bflag:$0x0] =	sbarrier.arrive $0xFFFF  }
0x14f: {  	p0 =	sne.s32 s0, $0x0;
	_ =	strace $0x90000047  }
0x150: {  	s0 =	sadd.s32 @!p0 $0x100000, s1;
	[bflag:$0x2] =	sbarrier.arrive $0xFFFF  }
0x151: {  	[sflag:s0] =	ssyncadd.tile.s32 @!p0 $0x1;
	_ =	shalt  }
.Lfunc_end2:
_tile_overlayer_lowered:
.L_overlay_start_2:
0x152: {  	(tag) =	ssettag $0x2  }
0x153: {  	s0 =	rddreg [dreg:$0x0];
	s2 =	stileid.u32  }
0x154: {  	s1 =	rddreg [dreg:$0x1];
	p0 =	sne.s32 s2, $0x0  }
0x155: {  	s3 =	rddreg [dreg:$0x2];
	[bflag:$0x3] =	sbarrier.arrive $0xFFFF;
	s2 =	simm.s32 @!p0 $0x1C05  }
0x156: {  	[timem:s3], [sflag:s2] =	dma.local @!p0 [hbm:s0], s1  }
0x157: {  	s0 =	simm.s32 @!p0 $0x5  }
0x158: {  	_ =	swait.ge @!p0 [sflag:s0], s1  }
0x159: {  	s1 =	ssub.s32 @!p0 $0x0, s1;
	[sflag:s0] =	ssyncset.done @!p0 $0x0  }
0x15a: {  	[sflag:s0] =	ssyncadd.s32 @!p0 s1  }
0x15b: {  	[bflag:$0x3] =	sbarrier.arrive $0xFFFF  }
0x15c: {  	_ =	shalt  }

</sc_bundles>
